<compile_context>
chip_gen: v7x
topology: tpu7x:2x2x1
jax: 0.10.2.dev20260603
libtpu: 0.0.44.dev20260713+nightly
codegen_flags: <defaults>
</compile_context>

<pallas_src>
import functools

import jax
import jax.numpy as jnp
from jax import lax
from jax.experimental import pallas as pl
from jax.experimental.pallas import tpu as pltpu
from jax.experimental.pallas import tpu_sc as plsc

B, S, C, W, H = 16, 512, 1, 28, 28
NC, P, NS, HID = 10, 2, 8, 64
D = C * W * H
NQ = HID // 16

_HI = jax.lax.Precision.DEFAULT


def _dense_kernel(x_ref, wbb_ref, bbb_ref, wc1_ref, bc1_ref, wc2_ref, bc2_ref,
                  wd1p_ref, bd1_ref, logp_ref, prop_ref, pred_ref):
    x = x_ref[...]
    logits = jnp.dot(x, wbb_ref[...], preferred_element_type=jnp.float32,
                     precision=_HI) + bbb_ref[...]
    lmax = jnp.max(logits, axis=-1, keepdims=True)
    lse = lmax + jnp.log(jnp.sum(jnp.exp(logits - lmax), axis=-1, keepdims=True))
    logp = logits - lse
    probs = jnp.exp(logp)
    h = jnp.maximum(jnp.dot(probs, wc1_ref[...], preferred_element_type=jnp.float32,
                            precision=_HI) + bc1_ref[...], 0.0)
    t = jnp.dot(h, wc2_ref[...], preferred_element_type=jnp.float32,
                precision=_HI) + bc2_ref[...]
    prop = 1.0 / (1.0 + jnp.exp(-t))
    pred = jnp.dot(prop, wd1p_ref[...], preferred_element_type=jnp.float32,
                   precision=_HI) + bd1_ref[...]
    logp_ref[...] = logp
    prop_ref[...] = prop
    pred_ref[...] = pred


def _sc_scan(pre_hbm, len_hbm, w1_hbm, w2t_hbm, bd2_hbm,
             zout_hbm,
             pre_v, w1_v, w2t_v, bd2_v, len_v, zbuf_v):
    cid = lax.axis_index("c")
    sid = lax.axis_index("s")

    @pl.when(sid < 8)
    def _():
        b = cid * 8 + sid
        pltpu.sync_copy(pre_hbm.at[b], pre_v)
        pltpu.sync_copy(w1_hbm, w1_v)
        pltpu.sync_copy(w2t_hbm, w2t_v)
        pltpu.sync_copy(bd2_hbm, bd2_v)
        pltpu.sync_copy(len_hbm, len_v)

        lane = lax.iota(jnp.int32, 16)
        s0 = jnp.where(lane == 0, 1.0, 0.0).astype(jnp.float32)
        bd2 = bd2_v[...]
        w1r = [[w1_v[pl.ds(j * HID + q * 16, 16)] for q in range(NQ)] for j in range(NS)]
        w2r = [[w2t_v[pl.ds(n * HID + q * 16, 16)] for q in range(NQ)] for n in range(NS)]

        gdn = lax.GatherDimensionNumbers(
            offset_dims=(), collapsed_slice_dims=(0,), start_index_map=(0,))

        def _bcast(v, j):
            return lax.gather(v, jnp.full((16, 1), j, jnp.int32), gdn,
                              slice_sizes=(1,),
                              mode=lax.GatherScatterMode.PROMISE_IN_BOUNDS)

        L = _bcast(len_v[...], b)[0]

        onehot = [jnp.where(lane == n, 1.0, 0.0).astype(jnp.float32)
                  for n in range(NS)]

        def _tree_add(vs):
            while len(vs) > 1:
                vs = [vs[i] + vs[i + 1] for i in range(0, len(vs) - 1, 2)] + (
                    [vs[-1]] if len(vs) % 2 else [])
            return vs[0]

        def body(t, carry):
            ez, rinv = carry
            ej = [_bcast(ez, j) for j in range(NS)]
            h = []
            for q in range(NQ):
                acc = _tree_add([ej[j] * w1r[j][q] for j in range(NS)])
                h.append(jnp.maximum(
                    acc * rinv + pre_v[pl.ds(t * HID + q * 16, 16)], 0.0))
            zparts = []
            for n in range(NS):
                v = (h[0] * w2r[n][0] + h[1] * w2r[n][1]) + (
                    h[2] * w2r[n][2] + h[3] * w2r[n][3])
                zparts.append(jnp.sum(v) * onehot[n])
            z = bd2 + _tree_add(zparts)
            ez2 = jnp.exp(z)
            se = jnp.sum(ez2)
            sev = jnp.broadcast_to(se, (16,))
            rinv2 = jnp.ones((16,), jnp.float32) / sev
            zbuf_v[t, pl.ds(0, 16)] = jnp.where(lane == NS, se, z)
            return ez2, rinv2

        lax.fori_loop(0, L, body, (s0, jnp.ones((16,), jnp.float32)))

        zlast = zbuf_v[L - 1, pl.ds(0, 16)]

        def tail(t, carry):
            zbuf_v[t, pl.ds(0, 16)] = zlast
            return carry

        lax.fori_loop(L, S, tail, 0)

        pltpu.sync_copy(zbuf_v, zout_hbm.at[b])


def _post_kernel(zraw_ref, mf_ref, logp_ref, prop_ref,
                 ls_ref, label_ref, vars_ref, props_ref):
    zraw = zraw_ref[...]
    zs = zraw[:, :, :NS]
    lsq = zs - jnp.log(zraw[:, :, NS:NS + 1])
    col = jax.lax.broadcasted_iota(jnp.int32, (B, 1, NS), 2)
    ls_ref[:, 0:1, :] = jnp.where(col == 0, 0.0, -jnp.inf).astype(jnp.float32)
    ls_ref[:, 1:, :] = lsq
    label_ref[...] = jnp.exp(lsq[:, S - 1, NS - 1:NS])

    mf = mf_ref[...]
    mnext = jnp.concatenate([mf[:, 1:], jnp.zeros((B, 1), jnp.float32)], axis=1)
    d = (mf - mnext)[:, :, None]
    m3 = mf[:, :, None] > 0.0
    logp = logp_ref[...]
    last_var = jnp.sum(d * logp, axis=1, keepdims=True)
    vars_ref[...] = jnp.where(m3, logp, jnp.broadcast_to(last_var, (B, S, NC)))
    prop = prop_ref[...]
    last_prop = jnp.sum(d * prop, axis=1, keepdims=True)
    props_ref[...] = jnp.where(m3, prop, jnp.broadcast_to(last_prop, (B, S, P)))


@jax.jit
def kernel(imgs, mask, W_bb, b_bb, W_c1, b_c1, W_c2, b_c2, W_d1, b_d1, W_d2, b_d2):
    x = imgs.reshape(B * S, D)
    BR = 1024
    NB = (B * S) // BR

    logp_f, prop_f, pred_f = pl.pallas_call(
        _dense_kernel,
        grid=(NB,),
        in_specs=[
            pl.BlockSpec((BR, D), lambda i: (i, 0)),
            pl.BlockSpec((D, NC), lambda i: (0, 0)),
            pl.BlockSpec((1, NC), lambda i: (0, 0)),
            pl.BlockSpec((NC, HID), lambda i: (0, 0)),
            pl.BlockSpec((1, HID), lambda i: (0, 0)),
            pl.BlockSpec((HID, P), lambda i: (0, 0)),
            pl.BlockSpec((1, P), lambda i: (0, 0)),
            pl.BlockSpec((P, HID), lambda i: (0, 0)),
            pl.BlockSpec((1, HID), lambda i: (0, 0)),
        ],
        out_specs=[
            pl.BlockSpec((BR, NC), lambda i: (i, 0)),
            pl.BlockSpec((BR, P), lambda i: (i, 0)),
            pl.BlockSpec((BR, HID), lambda i: (i, 0)),
        ],
        out_shape=[
            jax.ShapeDtypeStruct((B * S, NC), jnp.float32),
            jax.ShapeDtypeStruct((B * S, P), jnp.float32),
            jax.ShapeDtypeStruct((B * S, HID), jnp.float32),
        ],
    )(x, W_bb, b_bb.reshape(1, NC), W_c1, b_c1.reshape(1, HID),
      W_c2, b_c2.reshape(1, P), W_d1[NS:], b_d1.reshape(1, HID))

    pre_b = pred_f.reshape(B, S, HID)
    lengths = jnp.sum(mask, axis=1).astype(jnp.int32)
    bd2_pad = jnp.concatenate(
        [b_d2.astype(jnp.float32), jnp.full((16 - NS,), -jnp.inf, jnp.float32)])

    sc_fn = functools.partial(
        pl.kernel,
        out_type=jax.ShapeDtypeStruct((B, S, 128), jnp.float32),
        mesh=plsc.VectorSubcoreMesh(core_axis_name="c", subcore_axis_name="s"),
        compiler_params=pltpu.CompilerParams(needs_layout_passes=False),
        scratch_types=[
            pltpu.VMEM((S * HID,), jnp.float32),
            pltpu.VMEM((NS * HID,), jnp.float32),
            pltpu.VMEM((NS * HID,), jnp.float32),
            pltpu.VMEM((16,), jnp.float32),
            pltpu.VMEM((B,), jnp.int32),
            pltpu.VMEM((S, 128), jnp.float32),
        ],
    )(_sc_scan)
    zraw = sc_fn(pre_b.reshape(B, S * HID), lengths,
                 W_d1[:NS].reshape(-1), W_d2.T.reshape(-1), bd2_pad)

    mf = mask.astype(jnp.float32)
    ls, label2, vars_out, props_out = pl.pallas_call(
        _post_kernel,
        out_shape=[
            jax.ShapeDtypeStruct((B, S + 1, NS), jnp.float32),
            jax.ShapeDtypeStruct((B, 1), jnp.float32),
            jax.ShapeDtypeStruct((B, S, NC), jnp.float32),
            jax.ShapeDtypeStruct((B, S, P), jnp.float32),
        ],
    )(zraw, mf, logp_f.reshape(B, S, NC), prop_f.reshape(B, S, P))

    return (vars_out, props_out, ls, label2.reshape(B))

# --- scband reference (transcript-rebuilt; emitter-appended) ---
"""Pipeline reference for scband-sequence-classifier-22651657519643 (READ-ONLY COPY).

The authoritative reference and input builder live on the scoring server;
editing this copy changes nothing except your own understanding.
"""

import jax, jax.numpy as jnp
import numpy as np

B, S, C, W, H = 16, 512, 1, 28, 28
NC, P, NS, HID = 10, 2, 8, 64
D = C * W * H


def setup_inputs(seed: int = 0):
    key = jax.random.key(seed)
    ks = jax.random.split(key, 12)
    imgs = jax.random.normal(ks[0], (B, S, C, W, H), dtype=jnp.float32)
    lengths = jax.random.randint(ks[1], (B,), 1, S + 1)
    mask = (jnp.arange(S)[None, :] < lengths[:, None]).astype(jnp.int32)
    W_bb = jax.random.normal(ks[2], (D, NC), dtype=jnp.float32) * 0.02
    b_bb = jnp.zeros((NC,), jnp.float32)
    W_c1 = jax.random.normal(ks[3], (NC, HID), dtype=jnp.float32) * 0.1
    b_c1 = jnp.zeros((HID,), jnp.float32)
    W_c2 = jax.random.normal(ks[4], (HID, P), dtype=jnp.float32) * 0.1
    b_c2 = jnp.zeros((P,), jnp.float32)
    W_d1 = jax.random.normal(ks[5], (NS + P, HID), dtype=jnp.float32) * 0.1
    b_d1 = jnp.zeros((HID,), jnp.float32)
    W_d2 = jax.random.normal(ks[6], (HID, NS), dtype=jnp.float32) * 0.1
    b_d2 = jnp.zeros((NS,), jnp.float32)
    return {"imgs": imgs, "mask": mask, "W_bb": W_bb, "b_bb": b_bb, "W_c1": W_c1, "b_c1": b_c1, "W_c2": W_c2, "b_c2": b_c2, "W_d1": W_d1, "b_d1": b_d1, "W_d2": W_d2, "b_d2": b_d2}


def _log_softmax(x):
    return x - jax.scipy.special.logsumexp(x, axis=-1, keepdims=True)


def reference(imgs, mask, W_bb, b_bb, W_c1, b_c1, W_c2, b_c2, W_d1, b_d1, W_d2, b_d2):
    # forward_sequence: iterate timesteps; masked entries keep previous state
    # (equivalent to torch nonzero-gather + index_put scatter-back, since
    # running the step on masked rows and discarding via where is identical math).
    log_s0 = jnp.full((B, NS), -jnp.inf, dtype=jnp.float32).at[:, 0].set(0.0)
    s0 = jnp.zeros((B, NS), jnp.float32).at[:, 0].set(1.0)
    label0 = jnp.zeros((B,), jnp.float32)
    prev_var0 = jnp.zeros((B, NC), jnp.float32)
    prev_prop0 = jnp.zeros((B, P), jnp.float32)
    imgs_t = jnp.transpose(imgs.reshape(B, S, D), (1, 0, 2))
    mask_t = jnp.transpose(mask, (1, 0)).astype(jnp.float32)

    def step(carry, xs):
        log_s, s, label, prev_var, prev_prop = carry
        x, m = xs
        # backbone: per-variable classifier in log space
        logp = _log_softmax(x @ W_bb + b_bb)
        probs = jnp.exp(logp)
        # ConstraintMLP: class distribution -> proposition probabilities
        h = jax.nn.relu(probs @ W_c1 + b_c1)
        prop = jax.nn.sigmoid(h @ W_c2 + b_c2)
        # DFAMLP: (state, propositions) -> next-state log-distribution
        inp = jnp.concatenate([s, prop], axis=-1)
        h2 = jax.nn.relu(inp @ W_d1 + b_d1)
        log_next = _log_softmax(h2 @ W_d2 + b_d2)
        nxt = jnp.exp(log_next)
        acc = nxt[:, NS - 1]  # accepting state q7
        mm = m[:, None] > 0
        new_log = jnp.where(mm, log_next, log_s)
        new_s = jnp.where(mm, nxt, s)
        new_label = jnp.where(m > 0, acc, label)
        new_var = jnp.where(mm, logp, prev_var)
        new_prop = jnp.where(mm, prop, prev_prop)
        return (new_log, new_s, new_label, new_var, new_prop), (new_var, new_prop, new_log)

    (_, _, label, _, _), (vars_t, props_t, logs_t) = jax.lax.scan(
        step, (log_s0, s0, label0, prev_var0, prev_prop0), (imgs_t, mask_t))
    vars_out = jnp.transpose(vars_t, (1, 0, 2))
    props_out = jnp.transpose(props_t, (1, 0, 2))
    log_states = jnp.concatenate([log_s0[:, None, :], jnp.transpose(logs_t, (1, 0, 2))], axis=1)
    return (vars_out, props_out, log_states, label)

if __name__ == "__main__":
    import jax
    _d = setup_inputs()
    print(jax.jit(kernel)(*tuple(_d.values())))

</pallas_src>

<mosaic_0001>
#map = affine_map<(d0, d1) -> (0, 0)>
#map1 = affine_map<(d0, d1) -> (0)>
#map2 = affine_map<(d0, d1) -> (0, 0, 0)>
module attributes {stable_mosaic.version = 14 : i64} {
  func.func @_sc_scan(%arg0: i32, %arg1: i32, %arg2: memref<16x32768xf32, #tpu.memory_space<hbm>>, %arg3: memref<16xi32, #tpu.memory_space<hbm>>, %arg4: memref<512xf32, #tpu.memory_space<hbm>>, %arg5: memref<512xf32, #tpu.memory_space<hbm>>, %arg6: memref<16xf32, #tpu.memory_space<hbm>>, %arg7: memref<16x512x128xf32, #tpu.memory_space<hbm>>, %arg8: memref<32768xf32, #tpu.memory_space<vmem>>, %arg9: memref<512xf32, #tpu.memory_space<vmem>>, %arg10: memref<512xf32, #tpu.memory_space<vmem>>, %arg11: memref<16xf32, #tpu.memory_space<vmem>>, %arg12: memref<16xi32, #tpu.memory_space<vmem>>, %arg13: memref<512x128xf32, #tpu.memory_space<vmem>>) attributes {dimension_semantics = [#tpu.dimension_semantics<core_parallel>, #tpu.dimension_semantics<subcore_parallel>], iteration_bounds = array<i64: 2, 16>, scalar_prefetch = 0 : i64, scratch_operands = 6 : i64, tpu.core_type = #tpu.core_type<sc_vector_subcore>, window_params = [{transform_indices = #map}, {transform_indices = #map1}, {transform_indices = #map1}, {transform_indices = #map1}, {transform_indices = #map1}, {transform_indices = #map2}]} {
    %lt3A = arith.constant 8 : i32
    %lt3A_0 = arith.cmpi slt, %arg1, %lt3A : i32
    %convert_element_type3A = arith.extui %lt3A_0 : i1 to i32
    %cond3A = arith.constant 0 : i32
    %cond3A_1 = arith.cmpi ne, %convert_element_type3A, %cond3A : i32
    scf.if %cond3A_1 {
      %mul3A = arith.constant 8 : i32
      %mul3A_2 = arith.muli %arg0, %mul3A : i32
      %add3A = arith.addi %mul3A_2, %arg1 : i32
      "tpu.region"() ({
        %run_scoped3A = tpu.sem_alloc : memref<!tpu.dma_semaphore, #tpu.memory_space<semaphore_mem>>
        %dma_start3A = arith.constant 0 : i32
        %dma_start3A_230 = tpu.memref_slice %arg2[%add3A, %dma_start3A] : memref<16x32768xf32, #tpu.memory_space<hbm>> -> memref<1x32768xf32, #tpu.memory_space<hbm>>
        %dma_start3A_231 = tpu.memref_squeeze %dma_start3A_230 : memref<1x32768xf32, #tpu.memory_space<hbm>> -> memref<32768xf32, #tpu.memory_space<hbm>>
        %dma_start3A_232 = arith.constant 0 : i32
        %dma_start3A_233 = tpu.memref_slice %arg2[%add3A, %dma_start3A_232] : memref<16x32768xf32, #tpu.memory_space<hbm>> -> memref<1x32768xf32, #tpu.memory_space<hbm>>
        %dma_start3A_234 = tpu.memref_squeeze %dma_start3A_233 : memref<1x32768xf32, #tpu.memory_space<hbm>> -> memref<32768xf32, #tpu.memory_space<hbm>>
        tpu.enqueue_dma source(%dma_start3A_234 : memref<32768xf32, #tpu.memory_space<hbm>>) target(%arg8 : memref<32768xf32, #tpu.memory_space<vmem>>) target_semaphore(%run_scoped3A : memref<!tpu.dma_semaphore, #tpu.memory_space<semaphore_mem>>)
        %dma_wait3A = arith.constant 0 : i32
        %dma_wait3A_235 = tpu.memref_slice %arg2[%add3A, %dma_wait3A] : memref<16x32768xf32, #tpu.memory_space<hbm>> -> memref<1x32768xf32, #tpu.memory_space<hbm>>
        %dma_wait3A_236 = tpu.memref_squeeze %dma_wait3A_235 : memref<1x32768xf32, #tpu.memory_space<hbm>> -> memref<32768xf32, #tpu.memory_space<hbm>>
        %dma_wait3A_237 = arith.constant 0 : i32
        %dma_wait3A_238 = tpu.memref_slice %arg2[%add3A, %dma_wait3A_237] : memref<16x32768xf32, #tpu.memory_space<hbm>> -> memref<1x32768xf32, #tpu.memory_space<hbm>>
        %dma_wait3A_239 = tpu.memref_squeeze %dma_wait3A_238 : memref<1x32768xf32, #tpu.memory_space<hbm>> -> memref<32768xf32, #tpu.memory_space<hbm>>
        tpu.wait_dma2 semaphore(%run_scoped3A : memref<!tpu.dma_semaphore, #tpu.memory_space<semaphore_mem>>) src(%dma_wait3A_239 : memref<32768xf32, #tpu.memory_space<hbm>>) dst(%arg8 : memref<32768xf32, #tpu.memory_space<vmem>>)
        tpu.yield
      }) : () -> ()
      "tpu.region"() ({
        %run_scoped3A = tpu.sem_alloc : memref<!tpu.dma_semaphore, #tpu.memory_space<semaphore_mem>>
        tpu.enqueue_dma source(%arg4 : memref<512xf32, #tpu.memory_space<hbm>>) target(%arg9 : memref<512xf32, #tpu.memory_space<vmem>>) target_semaphore(%run_scoped3A : memref<!tpu.dma_semaphore, #tpu.memory_space<semaphore_mem>>)
        tpu.wait_dma2 semaphore(%run_scoped3A : memref<!tpu.dma_semaphore, #tpu.memory_space<semaphore_mem>>) src(%arg4 : memref<512xf32, #tpu.memory_space<hbm>>) dst(%arg9 : memref<512xf32, #tpu.memory_space<vmem>>)
        tpu.yield
      }) : () -> ()
      "tpu.region"() ({
        %run_scoped3A = tpu.sem_alloc : memref<!tpu.dma_semaphore, #tpu.memory_space<semaphore_mem>>
        tpu.enqueue_dma source(%arg5 : memref<512xf32, #tpu.memory_space<hbm>>) target(%arg10 : memref<512xf32, #tpu.memory_space<vmem>>) target_semaphore(%run_scoped3A : memref<!tpu.dma_semaphore, #tpu.memory_space<semaphore_mem>>)
        tpu.wait_dma2 semaphore(%run_scoped3A : memref<!tpu.dma_semaphore, #tpu.memory_space<semaphore_mem>>) src(%arg5 : memref<512xf32, #tpu.memory_space<hbm>>) dst(%arg10 : memref<512xf32, #tpu.memory_space<vmem>>)
        tpu.yield
      }) : () -> ()
      "tpu.region"() ({
        %run_scoped3A = tpu.sem_alloc : memref<!tpu.dma_semaphore, #tpu.memory_space<semaphore_mem>>
        tpu.enqueue_dma source(%arg6 : memref<16xf32, #tpu.memory_space<hbm>>) target(%arg11 : memref<16xf32, #tpu.memory_space<vmem>>) target_semaphore(%run_scoped3A : memref<!tpu.dma_semaphore, #tpu.memory_space<semaphore_mem>>)
        tpu.wait_dma2 semaphore(%run_scoped3A : memref<!tpu.dma_semaphore, #tpu.memory_space<semaphore_mem>>) src(%arg6 : memref<16xf32, #tpu.memory_space<hbm>>) dst(%arg11 : memref<16xf32, #tpu.memory_space<vmem>>)
        tpu.yield
      }) : () -> ()
      "tpu.region"() ({
        %run_scoped3A = tpu.sem_alloc : memref<!tpu.dma_semaphore, #tpu.memory_space<semaphore_mem>>
        tpu.enqueue_dma source(%arg3 : memref<16xi32, #tpu.memory_space<hbm>>) target(%arg12 : memref<16xi32, #tpu.memory_space<vmem>>) target_semaphore(%run_scoped3A : memref<!tpu.dma_semaphore, #tpu.memory_space<semaphore_mem>>)
        tpu.wait_dma2 semaphore(%run_scoped3A : memref<!tpu.dma_semaphore, #tpu.memory_space<semaphore_mem>>) src(%arg3 : memref<16xi32, #tpu.memory_space<hbm>>) dst(%arg12 : memref<16xi32, #tpu.memory_space<vmem>>)
        tpu.yield
      }) : () -> ()
      %iota3A = tpu.iota {dimensions = array<i32: 0>} : vector<16xi32>
      %eq3A = arith.constant 0 : i32
      %eq3A_3 = vector.broadcast %eq3A : i32 to vector<16xi32>
      %eq3A_4 = arith.cmpi eq, %iota3A, %eq3A_3 : vector<16xi32>
      %jit3A = arith.constant 1.000000e+00 : f32
      %jit3A_5 = arith.constant 0.000000e+00 : f32
      %broadcast_in_dim3A = vector.broadcast %jit3A : f32 to vector<16xf32>
      %broadcast_in_dim3A_6 = vector.broadcast %jit3A_5 : f32 to vector<16xf32>
      %select_n3A = arith.select %eq3A_4, %broadcast_in_dim3A, %broadcast_in_dim3A_6 : vector<16xi1>, vector<16xf32>
      %get3A = arith.constant 0 : index
      %get3A_7 = tpu.vector_load %arg11[%get3A] {strides = array<i32>} : memref<16xf32, #tpu.memory_space<vmem>>, vector<16xf32>,
      %get3A_8 = arith.constant 0 : index
      %get3A_9 = tpu.vector_load %arg9[%get3A_8] {strides = array<i32>} : memref<512xf32, #tpu.memory_space<vmem>>, vector<16xf32>,
      %get3A_10 = arith.constant 16 : index
      %get3A_11 = tpu.vector_load %arg9[%get3A_10] {strides = array<i32>} : memref<512xf32, #tpu.memory_space<vmem>>, vector<16xf32>,
      %get3A_12 = arith.constant 32 : index
      %get3A_13 = tpu.vector_load %arg9[%get3A_12] {strides = array<i32>} : memref<512xf32, #tpu.memory_space<vmem>>, vector<16xf32>,
      %get3A_14 = arith.constant 48 : index
      %get3A_15 = tpu.vector_load %arg9[%get3A_14] {strides = array<i32>} : memref<512xf32, #tpu.memory_space<vmem>>, vector<16xf32>,
      %get3A_16 = arith.constant 64 : index
      %get3A_17 = tpu.vector_load %arg9[%get3A_16] {strides = array<i32>} : memref<512xf32, #tpu.memory_space<vmem>>, vector<16xf32>,
      %get3A_18 = arith.constant 80 : index
      %get3A_19 = tpu.vector_load %arg9[%get3A_18] {strides = array<i32>} : memref<512xf32, #tpu.memory_space<vmem>>, vector<16xf32>,
      %get3A_20 = arith.constant 96 : index
      %get3A_21 = tpu.vector_load %arg9[%get3A_20] {strides = array<i32>} : memref<512xf32, #tpu.memory_space<vmem>>, vector<16xf32>,
      %get3A_22 = arith.constant 112 : index
      %get3A_23 = tpu.vector_load %arg9[%get3A_22] {strides = array<i32>} : memref<512xf32, #tpu.memory_space<vmem>>, vector<16xf32>,
      %get3A_24 = arith.constant 128 : index
      %get3A_25 = tpu.vector_load %arg9[%get3A_24] {strides = array<i32>} : memref<512xf32, #tpu.memory_space<vmem>>, vector<16xf32>,
      %get3A_26 = arith.constant 144 : index
      %get3A_27 = tpu.vector_load %arg9[%get3A_26] {strides = array<i32>} : memref<512xf32, #tpu.memory_space<vmem>>, vector<16xf32>,
      %get3A_28 = arith.constant 160 : index
      %get3A_29 = tpu.vector_load %arg9[%get3A_28] {strides = array<i32>} : memref<512xf32, #tpu.memory_space<vmem>>, vector<16xf32>,
      %get3A_30 = arith.constant 176 : index
      %get3A_31 = tpu.vector_load %arg9[%get3A_30] {strides = array<i32>} : memref<512xf32, #tpu.memory_space<vmem>>, vector<16xf32>,
      %get3A_32 = arith.constant 192 : index
      %get3A_33 = tpu.vector_load %arg9[%get3A_32] {strides = array<i32>} : memref<512xf32, #tpu.memory_space<vmem>>, vector<16xf32>,
      %get3A_34 = arith.constant 208 : index
      %get3A_35 = tpu.vector_load %arg9[%get3A_34] {strides = array<i32>} : memref<512xf32, #tpu.memory_space<vmem>>, vector<16xf32>,
      %get3A_36 = arith.constant 224 : index
      %get3A_37 = tpu.vector_load %arg9[%get3A_36] {strides = array<i32>} : memref<512xf32, #tpu.memory_space<vmem>>, vector<16xf32>,
      %get3A_38 = arith.constant 240 : index
      %get3A_39 = tpu.vector_load %arg9[%get3A_38] {strides = array<i32>} : memref<512xf32, #tpu.memory_space<vmem>>, vector<16xf32>,
      %get3A_40 = arith.constant 256 : index
      %get3A_41 = tpu.vector_load %arg9[%get3A_40] {strides = array<i32>} : memref<512xf32, #tpu.memory_space<vmem>>, vector<16xf32>,
      %get3A_42 = arith.constant 272 : index
      %get3A_43 = tpu.vector_load %arg9[%get3A_42] {strides = array<i32>} : memref<512xf32, #tpu.memory_space<vmem>>, vector<16xf32>,
      %get3A_44 = arith.constant 288 : index
      %get3A_45 = tpu.vector_load %arg9[%get3A_44] {strides = array<i32>} : memref<512xf32, #tpu.memory_space<vmem>>, vector<16xf32>,
      %get3A_46 = arith.constant 304 : index
      %get3A_47 = tpu.vector_load %arg9[%get3A_46] {strides = array<i32>} : memref<512xf32, #tpu.memory_space<vmem>>, vector<16xf32>,
      %get3A_48 = arith.constant 320 : index
      %get3A_49 = tpu.vector_load %arg9[%get3A_48] {strides = array<i32>} : memref<512xf32, #tpu.memory_space<vmem>>, vector<16xf32>,
      %get3A_50 = arith.constant 336 : index
      %get3A_51 = tpu.vector_load %arg9[%get3A_50] {strides = array<i32>} : memref<512xf32, #tpu.memory_space<vmem>>, vector<16xf32>,
      %get3A_52 = arith.constant 352 : index
      %get3A_53 = tpu.vector_load %arg9[%get3A_52] {strides = array<i32>} : memref<512xf32, #tpu.memory_space<vmem>>, vector<16xf32>,
      %get3A_54 = arith.constant 368 : index
      %get3A_55 = tpu.vector_load %arg9[%get3A_54] {strides = array<i32>} : memref<512xf32, #tpu.memory_space<vmem>>, vector<16xf32>,
      %get3A_56 = arith.constant 384 : index
      %get3A_57 = tpu.vector_load %arg9[%get3A_56] {strides = array<i32>} : memref<512xf32, #tpu.memory_space<vmem>>, vector<16xf32>,
      %get3A_58 = arith.constant 400 : index
      %get3A_59 = tpu.vector_load %arg9[%get3A_58] {strides = array<i32>} : memref<512xf32, #tpu.memory_space<vmem>>, vector<16xf32>,
      %get3A_60 = arith.constant 416 : index
      %get3A_61 = tpu.vector_load %arg9[%get3A_60] {strides = array<i32>} : memref<512xf32, #tpu.memory_space<vmem>>, vector<16xf32>,
      %get3A_62 = arith.constant 432 : index
      %get3A_63 = tpu.vector_load %arg9[%get3A_62] {strides = array<i32>} : memref<512xf32, #tpu.memory_space<vmem>>, vector<16xf32>,
      %get3A_64 = arith.constant 448 : index
      %get3A_65 = tpu.vector_load %arg9[%get3A_64] {strides = array<i32>} : memref<512xf32, #tpu.memory_space<vmem>>, vector<16xf32>,
      %get3A_66 = arith.constant 464 : index
      %get3A_67 = tpu.vector_load %arg9[%get3A_66] {strides = array<i32>} : memref<512xf32, #tpu.memory_space<vmem>>, vector<16xf32>,
      %get3A_68 = arith.constant 480 : index
      %get3A_69 = tpu.vector_load %arg9[%get3A_68] {strides = array<i32>} : memref<512xf32, #tpu.memory_space<vmem>>, vector<16xf32>,
      %get3A_70 = arith.constant 496 : index
      %get3A_71 = tpu.vector_load %arg9[%get3A_70] {strides = array<i32>} : memref<512xf32, #tpu.memory_space<vmem>>, vector<16xf32>,
      %get3A_72 = arith.constant 0 : index
      %get3A_73 = tpu.vector_load %arg10[%get3A_72] {strides = array<i32>} : memref<512xf32, #tpu.memory_space<vmem>>, vector<16xf32>,
      %get3A_74 = arith.constant 16 : index
      %get3A_75 = tpu.vector_load %arg10[%get3A_74] {strides = array<i32>} : memref<512xf32, #tpu.memory_space<vmem>>, vector<16xf32>,
      %get3A_76 = arith.constant 32 : index
      %get3A_77 = tpu.vector_load %arg10[%get3A_76] {strides = array<i32>} : memref<512xf32, #tpu.memory_space<vmem>>, vector<16xf32>,
      %get3A_78 = arith.constant 48 : index
      %get3A_79 = tpu.vector_load %arg10[%get3A_78] {strides = array<i32>} : memref<512xf32, #tpu.memory_space<vmem>>, vector<16xf32>,
      %get3A_80 = arith.constant 64 : index
      %get3A_81 = tpu.vector_load %arg10[%get3A_80] {strides = array<i32>} : memref<512xf32, #tpu.memory_space<vmem>>, vector<16xf32>,
      %get3A_82 = arith.constant 80 : index
      %get3A_83 = tpu.vector_load %arg10[%get3A_82] {strides = array<i32>} : memref<512xf32, #tpu.memory_space<vmem>>, vector<16xf32>,
      %get3A_84 = arith.constant 96 : index
      %get3A_85 = tpu.vector_load %arg10[%get3A_84] {strides = array<i32>} : memref<512xf32, #tpu.memory_space<vmem>>, vector<16xf32>,
      %get3A_86 = arith.constant 112 : index
      %get3A_87 = tpu.vector_load %arg10[%get3A_86] {strides = array<i32>} : memref<512xf32, #tpu.memory_space<vmem>>, vector<16xf32>,
      %get3A_88 = arith.constant 128 : index
      %get3A_89 = tpu.vector_load %arg10[%get3A_88] {strides = array<i32>} : memref<512xf32, #tpu.memory_space<vmem>>, vector<16xf32>,
      %get3A_90 = arith.constant 144 : index
      %get3A_91 = tpu.vector_load %arg10[%get3A_90] {strides = array<i32>} : memref<512xf32, #tpu.memory_space<vmem>>, vector<16xf32>,
      %get3A_92 = arith.constant 160 : index
      %get3A_93 = tpu.vector_load %arg10[%get3A_92] {strides = array<i32>} : memref<512xf32, #tpu.memory_space<vmem>>, vector<16xf32>,
      %get3A_94 = arith.constant 176 : index
      %get3A_95 = tpu.vector_load %arg10[%get3A_94] {strides = array<i32>} : memref<512xf32, #tpu.memory_space<vmem>>, vector<16xf32>,
      %get3A_96 = arith.constant 192 : index
      %get3A_97 = tpu.vector_load %arg10[%get3A_96] {strides = array<i32>} : memref<512xf32, #tpu.memory_space<vmem>>, vector<16xf32>,
      %get3A_98 = arith.constant 208 : index
      %get3A_99 = tpu.vector_load %arg10[%get3A_98] {strides = array<i32>} : memref<512xf32, #tpu.memory_space<vmem>>, vector<16xf32>,
      %get3A_100 = arith.constant 224 : index
      %get3A_101 = tpu.vector_load %arg10[%get3A_100] {strides = array<i32>} : memref<512xf32, #tpu.memory_space<vmem>>, vector<16xf32>,
      %get3A_102 = arith.constant 240 : index
      %get3A_103 = tpu.vector_load %arg10[%get3A_102] {strides = array<i32>} : memref<512xf32, #tpu.memory_space<vmem>>, vector<16xf32>,
      %get3A_104 = arith.constant 256 : index
      %get3A_105 = tpu.vector_load %arg10[%get3A_104] {strides = array<i32>} : memref<512xf32, #tpu.memory_space<vmem>>, vector<16xf32>,
      %get3A_106 = arith.constant 272 : index
      %get3A_107 = tpu.vector_load %arg10[%get3A_106] {strides = array<i32>} : memref<512xf32, #tpu.memory_space<vmem>>, vector<16xf32>,
      %get3A_108 = arith.constant 288 : index
      %get3A_109 = tpu.vector_load %arg10[%get3A_108] {strides = array<i32>} : memref<512xf32, #tpu.memory_space<vmem>>, vector<16xf32>,
      %get3A_110 = arith.constant 304 : index
      %get3A_111 = tpu.vector_load %arg10[%get3A_110] {strides = array<i32>} : memref<512xf32, #tpu.memory_space<vmem>>, vector<16xf32>,
      %get3A_112 = arith.constant 320 : index
      %get3A_113 = tpu.vector_load %arg10[%get3A_112] {strides = array<i32>} : memref<512xf32, #tpu.memory_space<vmem>>, vector<16xf32>,
      %get3A_114 = arith.constant 336 : index
      %get3A_115 = tpu.vector_load %arg10[%get3A_114] {strides = array<i32>} : memref<512xf32, #tpu.memory_space<vmem>>, vector<16xf32>,
      %get3A_116 = arith.constant 352 : index
      %get3A_117 = tpu.vector_load %arg10[%get3A_116] {strides = array<i32>} : memref<512xf32, #tpu.memory_space<vmem>>, vector<16xf32>,
      %get3A_118 = arith.constant 368 : index
      %get3A_119 = tpu.vector_load %arg10[%get3A_118] {strides = array<i32>} : memref<512xf32, #tpu.memory_space<vmem>>, vector<16xf32>,
      %get3A_120 = arith.constant 384 : index
      %get3A_121 = tpu.vector_load %arg10[%get3A_120] {strides = array<i32>} : memref<512xf32, #tpu.memory_space<vmem>>, vector<16xf32>,
      %get3A_122 = arith.constant 400 : index
      %get3A_123 = tpu.vector_load %arg10[%get3A_122] {strides = array<i32>} : memref<512xf32, #tpu.memory_space<vmem>>, vector<16xf32>,
      %get3A_124 = arith.constant 416 : index
      %get3A_125 = tpu.vector_load %arg10[%get3A_124] {strides = array<i32>} : memref<512xf32, #tpu.memory_space<vmem>>, vector<16xf32>,
      %get3A_126 = arith.constant 432 : index
      %get3A_127 = tpu.vector_load %arg10[%get3A_126] {strides = array<i32>} : memref<512xf32, #tpu.memory_space<vmem>>, vector<16xf32>,
      %get3A_128 = arith.constant 448 : index
      %get3A_129 = tpu.vector_load %arg10[%get3A_128] {strides = array<i32>} : memref<512xf32, #tpu.memory_space<vmem>>, vector<16xf32>,
      %get3A_130 = arith.constant 464 : index
      %get3A_131 = tpu.vector_load %arg10[%get3A_130] {strides = array<i32>} : memref<512xf32, #tpu.memory_space<vmem>>, vector<16xf32>,
      %get3A_132 = arith.constant 480 : index
      %get3A_133 = tpu.vector_load %arg10[%get3A_132] {strides = array<i32>} : memref<512xf32, #tpu.memory_space<vmem>>, vector<16xf32>,
      %get3A_134 = arith.constant 496 : index
      %get3A_135 = tpu.vector_load %arg10[%get3A_134] {strides = array<i32>} : memref<512xf32, #tpu.memory_space<vmem>>, vector<16xf32>,
      %get3A_136 = arith.constant 0 : index
      %get3A_137 = tpu.vector_load %arg12[%get3A_136] {strides = array<i32>} : memref<16xi32, #tpu.memory_space<vmem>>, vector<16xi32>,
      %broadcast_in_dim3A_138 = vector.broadcast %add3A : i32 to vector<16x1xi32>
      %gather3A = vector.shape_cast %broadcast_in_dim3A_138 : vector<16x1xi32> to vector<16xi32>
      %gather3A_139 = tpu.dynamic_gather %get3A_137[%gather3A] in [0] : vector<16xi32>, vector<16xi32> -> vector<16xi32>
      %slice3A = vector.extract_strided_slice %gather3A_139 {offsets = [0], sizes = [1], strides = [1]} : vector<16xi32> to vector<1xi32>
      %squeeze3A = vector.extract %slice3A[0] : i32 from vector<1xi32>
      %eq3A_140 = arith.constant 0 : i32
      %eq3A_141 = vector.broadcast %eq3A_140 : i32 to vector<16xi32>
      %eq3A_142 = arith.cmpi eq, %iota3A, %eq3A_141 : vector<16xi32>
      %jit3A_143 = arith.constant 1.000000e+00 : f32
      %jit3A_144 = arith.constant 0.000000e+00 : f32
      %broadcast_in_dim3A_145 = vector.broadcast %jit3A_143 : f32 to vector<16xf32>
      %broadcast_in_dim3A_146 = vector.broadcast %jit3A_144 : f32 to vector<16xf32>
      %select_n3A_147 = arith.select %eq3A_142, %broadcast_in_dim3A_145, %broadcast_in_dim3A_146 : vector<16xi1>, vector<16xf32>
      %eq3A_148 = arith.constant 1 : i32
      %eq3A_149 = vector.broadcast %eq3A_148 : i32 to vector<16xi32>
      %eq3A_150 = arith.cmpi eq, %iota3A, %eq3A_149 : vector<16xi32>
      %jit3A_151 = arith.constant 1.000000e+00 : f32
      %jit3A_152 = arith.constant 0.000000e+00 : f32
      %broadcast_in_dim3A_153 = vector.broadcast %jit3A_151 : f32 to vector<16xf32>
      %broadcast_in_dim3A_154 = vector.broadcast %jit3A_152 : f32 to vector<16xf32>
      %select_n3A_155 = arith.select %eq3A_150, %broadcast_in_dim3A_153, %broadcast_in_dim3A_154 : vector<16xi1>, vector<16xf32>
      %eq3A_156 = arith.constant 2 : i32
      %eq3A_157 = vector.broadcast %eq3A_156 : i32 to vector<16xi32>
      %eq3A_158 = arith.cmpi eq, %iota3A, %eq3A_157 : vector<16xi32>
      %jit3A_159 = arith.constant 1.000000e+00 : f32
      %jit3A_160 = arith.constant 0.000000e+00 : f32
      %broadcast_in_dim3A_161 = vector.broadcast %jit3A_159 : f32 to vector<16xf32>
      %broadcast_in_dim3A_162 = vector.broadcast %jit3A_160 : f32 to vector<16xf32>
      %select_n3A_163 = arith.select %eq3A_158, %broadcast_in_dim3A_161, %broadcast_in_dim3A_162 : vector<16xi1>, vector<16xf32>
      %eq3A_164 = arith.constant 3 : i32
      %eq3A_165 = vector.broadcast %eq3A_164 : i32 to vector<16xi32>
      %eq3A_166 = arith.cmpi eq, %iota3A, %eq3A_165 : vector<16xi32>
      %jit3A_167 = arith.constant 1.000000e+00 : f32
      %jit3A_168 = arith.constant 0.000000e+00 : f32
      %broadcast_in_dim3A_169 = vector.broadcast %jit3A_167 : f32 to vector<16xf32>
      %broadcast_in_dim3A_170 = vector.broadcast %jit3A_168 : f32 to vector<16xf32>
      %select_n3A_171 = arith.select %eq3A_166, %broadcast_in_dim3A_169, %broadcast_in_dim3A_170 : vector<16xi1>, vector<16xf32>
      %eq3A_172 = arith.constant 4 : i32
      %eq3A_173 = vector.broadcast %eq3A_172 : i32 to vector<16xi32>
      %eq3A_174 = arith.cmpi eq, %iota3A, %eq3A_173 : vector<16xi32>
      %jit3A_175 = arith.constant 1.000000e+00 : f32
      %jit3A_176 = arith.constant 0.000000e+00 : f32
      %broadcast_in_dim3A_177 = vector.broadcast %jit3A_175 : f32 to vector<16xf32>
      %broadcast_in_dim3A_178 = vector.broadcast %jit3A_176 : f32 to vector<16xf32>
      %select_n3A_179 = arith.select %eq3A_174, %broadcast_in_dim3A_177, %broadcast_in_dim3A_178 : vector<16xi1>, vector<16xf32>
      %eq3A_180 = arith.constant 5 : i32
      %eq3A_181 = vector.broadcast %eq3A_180 : i32 to vector<16xi32>
      %eq3A_182 = arith.cmpi eq, %iota3A, %eq3A_181 : vector<16xi32>
      %jit3A_183 = arith.constant 1.000000e+00 : f32
      %jit3A_184 = arith.constant 0.000000e+00 : f32
      %broadcast_in_dim3A_185 = vector.broadcast %jit3A_183 : f32 to vector<16xf32>
      %broadcast_in_dim3A_186 = vector.broadcast %jit3A_184 : f32 to vector<16xf32>
      %select_n3A_187 = arith.select %eq3A_182, %broadcast_in_dim3A_185, %broadcast_in_dim3A_186 : vector<16xi1>, vector<16xf32>
      %eq3A_188 = arith.constant 6 : i32
      %eq3A_189 = vector.broadcast %eq3A_188 : i32 to vector<16xi32>
      %eq3A_190 = arith.cmpi eq, %iota3A, %eq3A_189 : vector<16xi32>
      %jit3A_191 = arith.constant 1.000000e+00 : f32
      %jit3A_192 = arith.constant 0.000000e+00 : f32
      %broadcast_in_dim3A_193 = vector.broadcast %jit3A_191 : f32 to vector<16xf32>
      %broadcast_in_dim3A_194 = vector.broadcast %jit3A_192 : f32 to vector<16xf32>
      %select_n3A_195 = arith.select %eq3A_190, %broadcast_in_dim3A_193, %broadcast_in_dim3A_194 : vector<16xi1>, vector<16xf32>
      %eq3A_196 = arith.constant 7 : i32
      %eq3A_197 = vector.broadcast %eq3A_196 : i32 to vector<16xi32>
      %eq3A_198 = arith.cmpi eq, %iota3A, %eq3A_197 : vector<16xi32>
      %jit3A_199 = arith.constant 1.000000e+00 : f32
      %jit3A_200 = arith.constant 0.000000e+00 : f32
      %broadcast_in_dim3A_201 = vector.broadcast %jit3A_199 : f32 to vector<16xf32>
      %broadcast_in_dim3A_202 = vector.broadcast %jit3A_200 : f32 to vector<16xf32>
      %select_n3A_203 = arith.select %eq3A_198, %broadcast_in_dim3A_201, %broadcast_in_dim3A_202 : vector<16xi1>, vector<16xf32>
      %broadcast_in_dim3A_204 = arith.constant 1.000000e+00 : f32
      %broadcast_in_dim3A_205 = vector.broadcast %broadcast_in_dim3A_204 : f32 to vector<16xf32>
      %while3A = arith.constant 0 : i32
      %while3A_206 = arith.subi %squeeze3A, %while3A : i32
      %while3A_207 = arith.addi %while3A, %while3A_206 : i32
      %while3A_208 = arith.constant 1 : i32
      %while3A_209 = arith.divsi %while3A_206, %while3A_208 : i32
      %while3A_210 = arith.muli %while3A_209, %while3A_208 : i32
      %while3A_211 = arith.addi %while3A, %while3A_210 : i32
      %while3A_212 = arith.constant 1 : i32
      %while3A_213:2 = scf.for %while3A_230 = %while3A to %while3A_211 step %while3A_212 iter_args(%while3A_231 = %select_n3A, %while3A_232 = %broadcast_in_dim3A_205) -> (vector<16xf32>, vector<16xf32>)  : i32 {
        %broadcast_in_dim3A_233 = arith.constant 0 : i32
        %broadcast_in_dim3A_234 = vector.broadcast %broadcast_in_dim3A_233 : i32 to vector<16x1xi32>
        %gather3A_235 = vector.shape_cast %broadcast_in_dim3A_234 : vector<16x1xi32> to vector<16xi32>
        %gather3A_236 = tpu.dynamic_gather %while3A_231[%gather3A_235] in [0] : vector<16xf32>, vector<16xi32> -> vector<16xf32>
        %broadcast_in_dim3A_237 = arith.constant 1 : i32
        %broadcast_in_dim3A_238 = vector.broadcast %broadcast_in_dim3A_237 : i32 to vector<16x1xi32>
        %gather3A_239 = vector.shape_cast %broadcast_in_dim3A_238 : vector<16x1xi32> to vector<16xi32>
        %gather3A_240 = tpu.dynamic_gather %while3A_231[%gather3A_239] in [0] : vector<16xf32>, vector<16xi32> -> vector<16xf32>
        %broadcast_in_dim3A_241 = arith.constant 2 : i32
        %broadcast_in_dim3A_242 = vector.broadcast %broadcast_in_dim3A_241 : i32 to vector<16x1xi32>
        %gather3A_243 = vector.shape_cast %broadcast_in_dim3A_242 : vector<16x1xi32> to vector<16xi32>
        %gather3A_244 = tpu.dynamic_gather %while3A_231[%gather3A_243] in [0] : vector<16xf32>, vector<16xi32> -> vector<16xf32>
        %broadcast_in_dim3A_245 = arith.constant 3 : i32
        %broadcast_in_dim3A_246 = vector.broadcast %broadcast_in_dim3A_245 : i32 to vector<16x1xi32>
        %gather3A_247 = vector.shape_cast %broadcast_in_dim3A_246 : vector<16x1xi32> to vector<16xi32>
        %gather3A_248 = tpu.dynamic_gather %while3A_231[%gather3A_247] in [0] : vector<16xf32>, vector<16xi32> -> vector<16xf32>
        %broadcast_in_dim3A_249 = arith.constant 4 : i32
        %broadcast_in_dim3A_250 = vector.broadcast %broadcast_in_dim3A_249 : i32 to vector<16x1xi32>
        %gather3A_251 = vector.shape_cast %broadcast_in_dim3A_250 : vector<16x1xi32> to vector<16xi32>
        %gather3A_252 = tpu.dynamic_gather %while3A_231[%gather3A_251] in [0] : vector<16xf32>, vector<16xi32> -> vector<16xf32>
        %broadcast_in_dim3A_253 = arith.constant 5 : i32
        %broadcast_in_dim3A_254 = vector.broadcast %broadcast_in_dim3A_253 : i32 to vector<16x1xi32>
        %gather3A_255 = vector.shape_cast %broadcast_in_dim3A_254 : vector<16x1xi32> to vector<16xi32>
        %gather3A_256 = tpu.dynamic_gather %while3A_231[%gather3A_255] in [0] : vector<16xf32>, vector<16xi32> -> vector<16xf32>
        %broadcast_in_dim3A_257 = arith.constant 6 : i32
        %broadcast_in_dim3A_258 = vector.broadcast %broadcast_in_dim3A_257 : i32 to vector<16x1xi32>
        %gather3A_259 = vector.shape_cast %broadcast_in_dim3A_258 : vector<16x1xi32> to vector<16xi32>
        %gather3A_260 = tpu.dynamic_gather %while3A_231[%gather3A_259] in [0] : vector<16xf32>, vector<16xi32> -> vector<16xf32>
        %broadcast_in_dim3A_261 = arith.constant 7 : i32
        %broadcast_in_dim3A_262 = vector.broadcast %broadcast_in_dim3A_261 : i32 to vector<16x1xi32>
        %gather3A_263 = vector.shape_cast %broadcast_in_dim3A_262 : vector<16x1xi32> to vector<16xi32>
        %gather3A_264 = tpu.dynamic_gather %while3A_231[%gather3A_263] in [0] : vector<16xf32>, vector<16xi32> -> vector<16xf32>
        %mul3A_265 = arith.mulf %gather3A_236, %get3A_9 : vector<16xf32>
        %mul3A_266 = arith.mulf %gather3A_240, %get3A_17 : vector<16xf32>
        %mul3A_267 = arith.mulf %gather3A_244, %get3A_25 : vector<16xf32>
        %mul3A_268 = arith.mulf %gather3A_248, %get3A_33 : vector<16xf32>
        %mul3A_269 = arith.mulf %gather3A_252, %get3A_41 : vector<16xf32>
        %mul3A_270 = arith.mulf %gather3A_256, %get3A_49 : vector<16xf32>
        %mul3A_271 = arith.mulf %gather3A_260, %get3A_57 : vector<16xf32>
        %mul3A_272 = arith.mulf %gather3A_264, %get3A_65 : vector<16xf32>
        %add3A_273 = arith.addf %mul3A_265, %mul3A_266 : vector<16xf32>
        %add3A_274 = arith.addf %mul3A_267, %mul3A_268 : vector<16xf32>
        %add3A_275 = arith.addf %mul3A_269, %mul3A_270 : vector<16xf32>
        %add3A_276 = arith.addf %mul3A_271, %mul3A_272 : vector<16xf32>
        %add3A_277 = arith.addf %add3A_273, %add3A_274 : vector<16xf32>
        %add3A_278 = arith.addf %add3A_275, %add3A_276 : vector<16xf32>
        %add3A_279 = arith.addf %add3A_277, %add3A_278 : vector<16xf32>
        %mul3A_280 = arith.mulf %add3A_279, %while3A_232 : vector<16xf32>
        %mul3A_281 = arith.constant 64 : i32
        %mul3A_282 = arith.muli %while3A_230, %mul3A_281 : i32
        %add3A_283 = arith.constant 0 : i32
        %add3A_284 = arith.addi %mul3A_282, %add3A_283 : i32
        %get3A_285 = arith.index_cast %add3A_284 : i32 to index
        %get3A_286 = tpu.vector_load %arg8[%get3A_285] {strides = array<i32>} : memref<32768xf32, #tpu.memory_space<vmem>>, vector<16xf32>,
        %add3A_287 = arith.addf %mul3A_280, %get3A_286 : vector<16xf32>
        %max3A = arith.constant 0.000000e+00 : f32
        %max3A_288 = vector.broadcast %max3A : f32 to vector<16xf32>
        %max3A_289 = arith.maximumf %add3A_287, %max3A_288 : vector<16xf32>
        %mul3A_290 = arith.mulf %gather3A_236, %get3A_11 : vector<16xf32>
        %mul3A_291 = arith.mulf %gather3A_240, %get3A_19 : vector<16xf32>
        %mul3A_292 = arith.mulf %gather3A_244, %get3A_27 : vector<16xf32>
        %mul3A_293 = arith.mulf %gather3A_248, %get3A_35 : vector<16xf32>
        %mul3A_294 = arith.mulf %gather3A_252, %get3A_43 : vector<16xf32>
        %mul3A_295 = arith.mulf %gather3A_256, %get3A_51 : vector<16xf32>
        %mul3A_296 = arith.mulf %gather3A_260, %get3A_59 : vector<16xf32>
        %mul3A_297 = arith.mulf %gather3A_264, %get3A_67 : vector<16xf32>
        %add3A_298 = arith.addf %mul3A_290, %mul3A_291 : vector<16xf32>
        %add3A_299 = arith.addf %mul3A_292, %mul3A_293 : vector<16xf32>
        %add3A_300 = arith.addf %mul3A_294, %mul3A_295 : vector<16xf32>
        %add3A_301 = arith.addf %mul3A_296, %mul3A_297 : vector<16xf32>
        %add3A_302 = arith.addf %add3A_298, %add3A_299 : vector<16xf32>
        %add3A_303 = arith.addf %add3A_300, %add3A_301 : vector<16xf32>
        %add3A_304 = arith.addf %add3A_302, %add3A_303 : vector<16xf32>
        %mul3A_305 = arith.mulf %add3A_304, %while3A_232 : vector<16xf32>
        %mul3A_306 = arith.constant 64 : i32
        %mul3A_307 = arith.muli %while3A_230, %mul3A_306 : i32
        %add3A_308 = arith.constant 16 : i32
        %add3A_309 = arith.addi %mul3A_307, %add3A_308 : i32
        %get3A_310 = arith.index_cast %add3A_309 : i32 to index
        %get3A_311 = tpu.vector_load %arg8[%get3A_310] {strides = array<i32>} : memref<32768xf32, #tpu.memory_space<vmem>>, vector<16xf32>,
        %add3A_312 = arith.addf %mul3A_305, %get3A_311 : vector<16xf32>
        %max3A_313 = arith.constant 0.000000e+00 : f32
        %max3A_314 = vector.broadcast %max3A_313 : f32 to vector<16xf32>
        %max3A_315 = arith.maximumf %add3A_312, %max3A_314 : vector<16xf32>
        %mul3A_316 = arith.mulf %gather3A_236, %get3A_13 : vector<16xf32>
        %mul3A_317 = arith.mulf %gather3A_240, %get3A_21 : vector<16xf32>
        %mul3A_318 = arith.mulf %gather3A_244, %get3A_29 : vector<16xf32>
        %mul3A_319 = arith.mulf %gather3A_248, %get3A_37 : vector<16xf32>
        %mul3A_320 = arith.mulf %gather3A_252, %get3A_45 : vector<16xf32>
        %mul3A_321 = arith.mulf %gather3A_256, %get3A_53 : vector<16xf32>
        %mul3A_322 = arith.mulf %gather3A_260, %get3A_61 : vector<16xf32>
        %mul3A_323 = arith.mulf %gather3A_264, %get3A_69 : vector<16xf32>
        %add3A_324 = arith.addf %mul3A_316, %mul3A_317 : vector<16xf32>
        %add3A_325 = arith.addf %mul3A_318, %mul3A_319 : vector<16xf32>
        %add3A_326 = arith.addf %mul3A_320, %mul3A_321 : vector<16xf32>
        %add3A_327 = arith.addf %mul3A_322, %mul3A_323 : vector<16xf32>
        %add3A_328 = arith.addf %add3A_324, %add3A_325 : vector<16xf32>
        %add3A_329 = arith.addf %add3A_326, %add3A_327 : vector<16xf32>
        %add3A_330 = arith.addf %add3A_328, %add3A_329 : vector<16xf32>
        %mul3A_331 = arith.mulf %add3A_330, %while3A_232 : vector<16xf32>
        %mul3A_332 = arith.constant 64 : i32
        %mul3A_333 = arith.muli %while3A_230, %mul3A_332 : i32
        %add3A_334 = arith.constant 32 : i32
        %add3A_335 = arith.addi %mul3A_333, %add3A_334 : i32
        %get3A_336 = arith.index_cast %add3A_335 : i32 to index
        %get3A_337 = tpu.vector_load %arg8[%get3A_336] {strides = array<i32>} : memref<32768xf32, #tpu.memory_space<vmem>>, vector<16xf32>,
        %add3A_338 = arith.addf %mul3A_331, %get3A_337 : vector<16xf32>
        %max3A_339 = arith.constant 0.000000e+00 : f32
        %max3A_340 = vector.broadcast %max3A_339 : f32 to vector<16xf32>
        %max3A_341 = arith.maximumf %add3A_338, %max3A_340 : vector<16xf32>
        %mul3A_342 = arith.mulf %gather3A_236, %get3A_15 : vector<16xf32>
        %mul3A_343 = arith.mulf %gather3A_240, %get3A_23 : vector<16xf32>
        %mul3A_344 = arith.mulf %gather3A_244, %get3A_31 : vector<16xf32>
        %mul3A_345 = arith.mulf %gather3A_248, %get3A_39 : vector<16xf32>
        %mul3A_346 = arith.mulf %gather3A_252, %get3A_47 : vector<16xf32>
        %mul3A_347 = arith.mulf %gather3A_256, %get3A_55 : vector<16xf32>
        %mul3A_348 = arith.mulf %gather3A_260, %get3A_63 : vector<16xf32>
        %mul3A_349 = arith.mulf %gather3A_264, %get3A_71 : vector<16xf32>
        %add3A_350 = arith.addf %mul3A_342, %mul3A_343 : vector<16xf32>
        %add3A_351 = arith.addf %mul3A_344, %mul3A_345 : vector<16xf32>
        %add3A_352 = arith.addf %mul3A_346, %mul3A_347 : vector<16xf32>
        %add3A_353 = arith.addf %mul3A_348, %mul3A_349 : vector<16xf32>
        %add3A_354 = arith.addf %add3A_350, %add3A_351 : vector<16xf32>
        %add3A_355 = arith.addf %add3A_352, %add3A_353 : vector<16xf32>
        %add3A_356 = arith.addf %add3A_354, %add3A_355 : vector<16xf32>
        %mul3A_357 = arith.mulf %add3A_356, %while3A_232 : vector<16xf32>
        %mul3A_358 = arith.constant 64 : i32
        %mul3A_359 = arith.muli %while3A_230, %mul3A_358 : i32
        %add3A_360 = arith.constant 48 : i32
        %add3A_361 = arith.addi %mul3A_359, %add3A_360 : i32
        %get3A_362 = arith.index_cast %add3A_361 : i32 to index
        %get3A_363 = tpu.vector_load %arg8[%get3A_362] {strides = array<i32>} : memref<32768xf32, #tpu.memory_space<vmem>>, vector<16xf32>,
        %add3A_364 = arith.addf %mul3A_357, %get3A_363 : vector<16xf32>
        %max3A_365 = arith.constant 0.000000e+00 : f32
        %max3A_366 = vector.broadcast %max3A_365 : f32 to vector<16xf32>
        %max3A_367 = arith.maximumf %add3A_364, %max3A_366 : vector<16xf32>
        %mul3A_368 = arith.mulf %max3A_289, %get3A_73 : vector<16xf32>
        %mul3A_369 = arith.mulf %max3A_315, %get3A_75 : vector<16xf32>
        %add3A_370 = arith.addf %mul3A_368, %mul3A_369 : vector<16xf32>
        %mul3A_371 = arith.mulf %max3A_341, %get3A_77 : vector<16xf32>
        %mul3A_372 = arith.mulf %max3A_367, %get3A_79 : vector<16xf32>
        %add3A_373 = arith.addf %mul3A_371, %mul3A_372 : vector<16xf32>
        %add3A_374 = arith.addf %add3A_370, %add3A_373 : vector<16xf32>
        %reduce_sum3A = arith.constant true
        %reduce_sum3A_375 = vector.broadcast %reduce_sum3A : i1 to vector<16xi1>
        %reduce_sum3A_376 = tpu.scan <sum>, %add3A_374 masked %reduce_sum3A_375 : vector<16xf32>, vector<16xi1> -> vector<16xf32>
        %reduce_sum3A_377 = vector.extract %reduce_sum3A_376[15] : f32 from vector<16xf32>
        %mul3A_378 = vector.broadcast %reduce_sum3A_377 : f32 to vector<16xf32>
        %mul3A_379 = arith.mulf %mul3A_378, %select_n3A_147 : vector<16xf32>
        %mul3A_380 = arith.mulf %max3A_289, %get3A_81 : vector<16xf32>
        %mul3A_381 = arith.mulf %max3A_315, %get3A_83 : vector<16xf32>
        %add3A_382 = arith.addf %mul3A_380, %mul3A_381 : vector<16xf32>
        %mul3A_383 = arith.mulf %max3A_341, %get3A_85 : vector<16xf32>
        %mul3A_384 = arith.mulf %max3A_367, %get3A_87 : vector<16xf32>
        %add3A_385 = arith.addf %mul3A_383, %mul3A_384 : vector<16xf32>
        %add3A_386 = arith.addf %add3A_382, %add3A_385 : vector<16xf32>
        %reduce_sum3A_387 = arith.constant true
        %reduce_sum3A_388 = vector.broadcast %reduce_sum3A_387 : i1 to vector<16xi1>
        %reduce_sum3A_389 = tpu.scan <sum>, %add3A_386 masked %reduce_sum3A_388 : vector<16xf32>, vector<16xi1> -> vector<16xf32>
        %reduce_sum3A_390 = vector.extract %reduce_sum3A_389[15] : f32 from vector<16xf32>
        %mul3A_391 = vector.broadcast %reduce_sum3A_390 : f32 to vector<16xf32>
        %mul3A_392 = arith.mulf %mul3A_391, %select_n3A_155 : vector<16xf32>
        %mul3A_393 = arith.mulf %max3A_289, %get3A_89 : vector<16xf32>
        %mul3A_394 = arith.mulf %max3A_315, %get3A_91 : vector<16xf32>
        %add3A_395 = arith.addf %mul3A_393, %mul3A_394 : vector<16xf32>
        %mul3A_396 = arith.mulf %max3A_341, %get3A_93 : vector<16xf32>
        %mul3A_397 = arith.mulf %max3A_367, %get3A_95 : vector<16xf32>
        %add3A_398 = arith.addf %mul3A_396, %mul3A_397 : vector<16xf32>
        %add3A_399 = arith.addf %add3A_395, %add3A_398 : vector<16xf32>
        %reduce_sum3A_400 = arith.constant true
        %reduce_sum3A_401 = vector.broadcast %reduce_sum3A_400 : i1 to vector<16xi1>
        %reduce_sum3A_402 = tpu.scan <sum>, %add3A_399 masked %reduce_sum3A_401 : vector<16xf32>, vector<16xi1> -> vector<16xf32>
        %reduce_sum3A_403 = vector.extract %reduce_sum3A_402[15] : f32 from vector<16xf32>
        %mul3A_404 = vector.broadcast %reduce_sum3A_403 : f32 to vector<16xf32>
        %mul3A_405 = arith.mulf %mul3A_404, %select_n3A_163 : vector<16xf32>
        %mul3A_406 = arith.mulf %max3A_289, %get3A_97 : vector<16xf32>
        %mul3A_407 = arith.mulf %max3A_315, %get3A_99 : vector<16xf32>
        %add3A_408 = arith.addf %mul3A_406, %mul3A_407 : vector<16xf32>
        %mul3A_409 = arith.mulf %max3A_341, %get3A_101 : vector<16xf32>
        %mul3A_410 = arith.mulf %max3A_367, %get3A_103 : vector<16xf32>
        %add3A_411 = arith.addf %mul3A_409, %mul3A_410 : vector<16xf32>
        %add3A_412 = arith.addf %add3A_408, %add3A_411 : vector<16xf32>
        %reduce_sum3A_413 = arith.constant true
        %reduce_sum3A_414 = vector.broadcast %reduce_sum3A_413 : i1 to vector<16xi1>
        %reduce_sum3A_415 = tpu.scan <sum>, %add3A_412 masked %reduce_sum3A_414 : vector<16xf32>, vector<16xi1> -> vector<16xf32>
        %reduce_sum3A_416 = vector.extract %reduce_sum3A_415[15] : f32 from vector<16xf32>
        %mul3A_417 = vector.broadcast %reduce_sum3A_416 : f32 to vector<16xf32>
        %mul3A_418 = arith.mulf %mul3A_417, %select_n3A_171 : vector<16xf32>
        %mul3A_419 = arith.mulf %max3A_289, %get3A_105 : vector<16xf32>
        %mul3A_420 = arith.mulf %max3A_315, %get3A_107 : vector<16xf32>
        %add3A_421 = arith.addf %mul3A_419, %mul3A_420 : vector<16xf32>
        %mul3A_422 = arith.mulf %max3A_341, %get3A_109 : vector<16xf32>
        %mul3A_423 = arith.mulf %max3A_367, %get3A_111 : vector<16xf32>
        %add3A_424 = arith.addf %mul3A_422, %mul3A_423 : vector<16xf32>
        %add3A_425 = arith.addf %add3A_421, %add3A_424 : vector<16xf32>
        %reduce_sum3A_426 = arith.constant true
        %reduce_sum3A_427 = vector.broadcast %reduce_sum3A_426 : i1 to vector<16xi1>
        %reduce_sum3A_428 = tpu.scan <sum>, %add3A_425 masked %reduce_sum3A_427 : vector<16xf32>, vector<16xi1> -> vector<16xf32>
        %reduce_sum3A_429 = vector.extract %reduce_sum3A_428[15] : f32 from vector<16xf32>
        %mul3A_430 = vector.broadcast %reduce_sum3A_429 : f32 to vector<16xf32>
        %mul3A_431 = arith.mulf %mul3A_430, %select_n3A_179 : vector<16xf32>
        %mul3A_432 = arith.mulf %max3A_289, %get3A_113 : vector<16xf32>
        %mul3A_433 = arith.mulf %max3A_315, %get3A_115 : vector<16xf32>
        %add3A_434 = arith.addf %mul3A_432, %mul3A_433 : vector<16xf32>
        %mul3A_435 = arith.mulf %max3A_341, %get3A_117 : vector<16xf32>
        %mul3A_436 = arith.mulf %max3A_367, %get3A_119 : vector<16xf32>
        %add3A_437 = arith.addf %mul3A_435, %mul3A_436 : vector<16xf32>
        %add3A_438 = arith.addf %add3A_434, %add3A_437 : vector<16xf32>
        %reduce_sum3A_439 = arith.constant true
        %reduce_sum3A_440 = vector.broadcast %reduce_sum3A_439 : i1 to vector<16xi1>
        %reduce_sum3A_441 = tpu.scan <sum>, %add3A_438 masked %reduce_sum3A_440 : vector<16xf32>, vector<16xi1> -> vector<16xf32>
        %reduce_sum3A_442 = vector.extract %reduce_sum3A_441[15] : f32 from vector<16xf32>
        %mul3A_443 = vector.broadcast %reduce_sum3A_442 : f32 to vector<16xf32>
        %mul3A_444 = arith.mulf %mul3A_443, %select_n3A_187 : vector<16xf32>
        %mul3A_445 = arith.mulf %max3A_289, %get3A_121 : vector<16xf32>
        %mul3A_446 = arith.mulf %max3A_315, %get3A_123 : vector<16xf32>
        %add3A_447 = arith.addf %mul3A_445, %mul3A_446 : vector<16xf32>
        %mul3A_448 = arith.mulf %max3A_341, %get3A_125 : vector<16xf32>
        %mul3A_449 = arith.mulf %max3A_367, %get3A_127 : vector<16xf32>
        %add3A_450 = arith.addf %mul3A_448, %mul3A_449 : vector<16xf32>
        %add3A_451 = arith.addf %add3A_447, %add3A_450 : vector<16xf32>
        %reduce_sum3A_452 = arith.constant true
        %reduce_sum3A_453 = vector.broadcast %reduce_sum3A_452 : i1 to vector<16xi1>
        %reduce_sum3A_454 = tpu.scan <sum>, %add3A_451 masked %reduce_sum3A_453 : vector<16xf32>, vector<16xi1> -> vector<16xf32>
        %reduce_sum3A_455 = vector.extract %reduce_sum3A_454[15] : f32 from vector<16xf32>
        %mul3A_456 = vector.broadcast %reduce_sum3A_455 : f32 to vector<16xf32>
        %mul3A_457 = arith.mulf %mul3A_456, %select_n3A_195 : vector<16xf32>
        %mul3A_458 = arith.mulf %max3A_289, %get3A_129 : vector<16xf32>
        %mul3A_459 = arith.mulf %max3A_315, %get3A_131 : vector<16xf32>
        %add3A_460 = arith.addf %mul3A_458, %mul3A_459 : vector<16xf32>
        %mul3A_461 = arith.mulf %max3A_341, %get3A_133 : vector<16xf32>
        %mul3A_462 = arith.mulf %max3A_367, %get3A_135 : vector<16xf32>
        %add3A_463 = arith.addf %mul3A_461, %mul3A_462 : vector<16xf32>
        %add3A_464 = arith.addf %add3A_460, %add3A_463 : vector<16xf32>
        %reduce_sum3A_465 = arith.constant true
        %reduce_sum3A_466 = vector.broadcast %reduce_sum3A_465 : i1 to vector<16xi1>
        %reduce_sum3A_467 = tpu.scan <sum>, %add3A_464 masked %reduce_sum3A_466 : vector<16xf32>, vector<16xi1> -> vector<16xf32>
        %reduce_sum3A_468 = vector.extract %reduce_sum3A_467[15] : f32 from vector<16xf32>
        %mul3A_469 = vector.broadcast %reduce_sum3A_468 : f32 to vector<16xf32>
        %mul3A_470 = arith.mulf %mul3A_469, %select_n3A_203 : vector<16xf32>
        %add3A_471 = arith.addf %mul3A_379, %mul3A_392 : vector<16xf32>
        %add3A_472 = arith.addf %mul3A_405, %mul3A_418 : vector<16xf32>
        %add3A_473 = arith.addf %mul3A_431, %mul3A_444 : vector<16xf32>
        %add3A_474 = arith.addf %mul3A_457, %mul3A_470 : vector<16xf32>
        %add3A_475 = arith.addf %add3A_471, %add3A_472 : vector<16xf32>
        %add3A_476 = arith.addf %add3A_473, %add3A_474 : vector<16xf32>
        %add3A_477 = arith.addf %add3A_475, %add3A_476 : vector<16xf32>
        %add3A_478 = arith.addf %get3A_7, %add3A_477 : vector<16xf32>
        %exp3A = math.exp %add3A_478 : vector<16xf32>
        %reduce_sum3A_479 = arith.constant true
        %reduce_sum3A_480 = vector.broadcast %reduce_sum3A_479 : i1 to vector<16xi1>
        %reduce_sum3A_481 = tpu.scan <sum>, %exp3A masked %reduce_sum3A_480 : vector<16xf32>, vector<16xi1> -> vector<16xf32>
        %reduce_sum3A_482 = vector.extract %reduce_sum3A_481[15] : f32 from vector<16xf32>
        %broadcast_in_dim3A_483 = vector.broadcast %reduce_sum3A_482 : f32 to vector<16xf32>
        %broadcast_in_dim3A_484 = arith.constant 1.000000e+00 : f32
        %broadcast_in_dim3A_485 = vector.broadcast %broadcast_in_dim3A_484 : f32 to vector<16xf32>
        %div3A = arith.divf %broadcast_in_dim3A_485, %broadcast_in_dim3A_483 : vector<16xf32>
        %eq3A_486 = arith.constant 8 : i32
        %eq3A_487 = vector.broadcast %eq3A_486 : i32 to vector<16xi32>
        %eq3A_488 = arith.cmpi eq, %iota3A, %eq3A_487 : vector<16xi32>
        %broadcast_in_dim3A_489 = vector.broadcast %reduce_sum3A_482 : f32 to vector<16xf32>
        %select_n3A_490 = arith.select %eq3A_488, %broadcast_in_dim3A_489, %add3A_478 : vector<16xi1>, vector<16xf32>
        %swap3A = arith.index_cast %while3A_230 : i32 to index
        %swap3A_491 = arith.constant 0 : index
        %swap3A_492 = tpu.vector_load %arg13[%swap3A, %swap3A_491] {strides = array<i32>} : memref<512x128xf32, #tpu.memory_space<vmem>>, vector<16xf32>,
        tpu.vector_store %arg13[%swap3A, %swap3A_491], %select_n3A_490 {strides = array<i32>} : memref<512x128xf32, #tpu.memory_space<vmem>>, vector<16xf32>,
        scf.yield %exp3A, %div3A : vector<16xf32>, vector<16xf32>
      }
      %while3A_214 = arith.constant 1 : i32
      %while3A_215:2 = scf.for %while3A_230 = %while3A_211 to %while3A_207 step %while3A_214 iter_args(%while3A_231 = %while3A_213#0, %while3A_232 = %while3A_213#1) -> (vector<16xf32>, vector<16xf32>)  : i32 {
        %broadcast_in_dim3A_233 = arith.constant 0 : i32
        %broadcast_in_dim3A_234 = vector.broadcast %broadcast_in_dim3A_233 : i32 to vector<16x1xi32>
        %gather3A_235 = vector.shape_cast %broadcast_in_dim3A_234 : vector<16x1xi32> to vector<16xi32>
        %gather3A_236 = tpu.dynamic_gather %while3A_231[%gather3A_235] in [0] : vector<16xf32>, vector<16xi32> -> vector<16xf32>
        %broadcast_in_dim3A_237 = arith.constant 1 : i32
        %broadcast_in_dim3A_238 = vector.broadcast %broadcast_in_dim3A_237 : i32 to vector<16x1xi32>
        %gather3A_239 = vector.shape_cast %broadcast_in_dim3A_238 : vector<16x1xi32> to vector<16xi32>
        %gather3A_240 = tpu.dynamic_gather %while3A_231[%gather3A_239] in [0] : vector<16xf32>, vector<16xi32> -> vector<16xf32>
        %broadcast_in_dim3A_241 = arith.constant 2 : i32
        %broadcast_in_dim3A_242 = vector.broadcast %broadcast_in_dim3A_241 : i32 to vector<16x1xi32>
        %gather3A_243 = vector.shape_cast %broadcast_in_dim3A_242 : vector<16x1xi32> to vector<16xi32>
        %gather3A_244 = tpu.dynamic_gather %while3A_231[%gather3A_243] in [0] : vector<16xf32>, vector<16xi32> -> vector<16xf32>
        %broadcast_in_dim3A_245 = arith.constant 3 : i32
        %broadcast_in_dim3A_246 = vector.broadcast %broadcast_in_dim3A_245 : i32 to vector<16x1xi32>
        %gather3A_247 = vector.shape_cast %broadcast_in_dim3A_246 : vector<16x1xi32> to vector<16xi32>
        %gather3A_248 = tpu.dynamic_gather %while3A_231[%gather3A_247] in [0] : vector<16xf32>, vector<16xi32> -> vector<16xf32>
        %broadcast_in_dim3A_249 = arith.constant 4 : i32
        %broadcast_in_dim3A_250 = vector.broadcast %broadcast_in_dim3A_249 : i32 to vector<16x1xi32>
        %gather3A_251 = vector.shape_cast %broadcast_in_dim3A_250 : vector<16x1xi32> to vector<16xi32>
        %gather3A_252 = tpu.dynamic_gather %while3A_231[%gather3A_251] in [0] : vector<16xf32>, vector<16xi32> -> vector<16xf32>
        %broadcast_in_dim3A_253 = arith.constant 5 : i32
        %broadcast_in_dim3A_254 = vector.broadcast %broadcast_in_dim3A_253 : i32 to vector<16x1xi32>
        %gather3A_255 = vector.shape_cast %broadcast_in_dim3A_254 : vector<16x1xi32> to vector<16xi32>
        %gather3A_256 = tpu.dynamic_gather %while3A_231[%gather3A_255] in [0] : vector<16xf32>, vector<16xi32> -> vector<16xf32>
        %broadcast_in_dim3A_257 = arith.constant 6 : i32
        %broadcast_in_dim3A_258 = vector.broadcast %broadcast_in_dim3A_257 : i32 to vector<16x1xi32>
        %gather3A_259 = vector.shape_cast %broadcast_in_dim3A_258 : vector<16x1xi32> to vector<16xi32>
        %gather3A_260 = tpu.dynamic_gather %while3A_231[%gather3A_259] in [0] : vector<16xf32>, vector<16xi32> -> vector<16xf32>
        %broadcast_in_dim3A_261 = arith.constant 7 : i32
        %broadcast_in_dim3A_262 = vector.broadcast %broadcast_in_dim3A_261 : i32 to vector<16x1xi32>
        %gather3A_263 = vector.shape_cast %broadcast_in_dim3A_262 : vector<16x1xi32> to vector<16xi32>
        %gather3A_264 = tpu.dynamic_gather %while3A_231[%gather3A_263] in [0] : vector<16xf32>, vector<16xi32> -> vector<16xf32>
        %mul3A_265 = arith.mulf %gather3A_236, %get3A_9 : vector<16xf32>
        %mul3A_266 = arith.mulf %gather3A_240, %get3A_17 : vector<16xf32>
        %mul3A_267 = arith.mulf %gather3A_244, %get3A_25 : vector<16xf32>
        %mul3A_268 = arith.mulf %gather3A_248, %get3A_33 : vector<16xf32>
        %mul3A_269 = arith.mulf %gather3A_252, %get3A_41 : vector<16xf32>
        %mul3A_270 = arith.mulf %gather3A_256, %get3A_49 : vector<16xf32>
        %mul3A_271 = arith.mulf %gather3A_260, %get3A_57 : vector<16xf32>
        %mul3A_272 = arith.mulf %gather3A_264, %get3A_65 : vector<16xf32>
        %add3A_273 = arith.addf %mul3A_265, %mul3A_266 : vector<16xf32>
        %add3A_274 = arith.addf %mul3A_267, %mul3A_268 : vector<16xf32>
        %add3A_275 = arith.addf %mul3A_269, %mul3A_270 : vector<16xf32>
        %add3A_276 = arith.addf %mul3A_271, %mul3A_272 : vector<16xf32>
        %add3A_277 = arith.addf %add3A_273, %add3A_274 : vector<16xf32>
        %add3A_278 = arith.addf %add3A_275, %add3A_276 : vector<16xf32>
        %add3A_279 = arith.addf %add3A_277, %add3A_278 : vector<16xf32>
        %mul3A_280 = arith.mulf %add3A_279, %while3A_232 : vector<16xf32>
        %mul3A_281 = arith.constant 64 : i32
        %mul3A_282 = arith.muli %while3A_230, %mul3A_281 : i32
        %add3A_283 = arith.constant 0 : i32
        %add3A_284 = arith.addi %mul3A_282, %add3A_283 : i32
        %get3A_285 = arith.index_cast %add3A_284 : i32 to index
        %get3A_286 = tpu.vector_load %arg8[%get3A_285] {strides = array<i32>} : memref<32768xf32, #tpu.memory_space<vmem>>, vector<16xf32>,
        %add3A_287 = arith.addf %mul3A_280, %get3A_286 : vector<16xf32>
        %max3A = arith.constant 0.000000e+00 : f32
        %max3A_288 = vector.broadcast %max3A : f32 to vector<16xf32>
        %max3A_289 = arith.maximumf %add3A_287, %max3A_288 : vector<16xf32>
        %mul3A_290 = arith.mulf %gather3A_236, %get3A_11 : vector<16xf32>
        %mul3A_291 = arith.mulf %gather3A_240, %get3A_19 : vector<16xf32>
        %mul3A_292 = arith.mulf %gather3A_244, %get3A_27 : vector<16xf32>
        %mul3A_293 = arith.mulf %gather3A_248, %get3A_35 : vector<16xf32>
        %mul3A_294 = arith.mulf %gather3A_252, %get3A_43 : vector<16xf32>
        %mul3A_295 = arith.mulf %gather3A_256, %get3A_51 : vector<16xf32>
        %mul3A_296 = arith.mulf %gather3A_260, %get3A_59 : vector<16xf32>
        %mul3A_297 = arith.mulf %gather3A_264, %get3A_67 : vector<16xf32>
        %add3A_298 = arith.addf %mul3A_290, %mul3A_291 : vector<16xf32>
        %add3A_299 = arith.addf %mul3A_292, %mul3A_293 : vector<16xf32>
        %add3A_300 = arith.addf %mul3A_294, %mul3A_295 : vector<16xf32>
        %add3A_301 = arith.addf %mul3A_296, %mul3A_297 : vector<16xf32>
        %add3A_302 = arith.addf %add3A_298, %add3A_299 : vector<16xf32>
        %add3A_303 = arith.addf %add3A_300, %add3A_301 : vector<16xf32>
        %add3A_304 = arith.addf %add3A_302, %add3A_303 : vector<16xf32>
        %mul3A_305 = arith.mulf %add3A_304, %while3A_232 : vector<16xf32>
        %mul3A_306 = arith.constant 64 : i32
        %mul3A_307 = arith.muli %while3A_230, %mul3A_306 : i32
        %add3A_308 = arith.constant 16 : i32
        %add3A_309 = arith.addi %mul3A_307, %add3A_308 : i32
        %get3A_310 = arith.index_cast %add3A_309 : i32 to index
        %get3A_311 = tpu.vector_load %arg8[%get3A_310] {strides = array<i32>} : memref<32768xf32, #tpu.memory_space<vmem>>, vector<16xf32>,
        %add3A_312 = arith.addf %mul3A_305, %get3A_311 : vector<16xf32>
        %max3A_313 = arith.constant 0.000000e+00 : f32
        %max3A_314 = vector.broadcast %max3A_313 : f32 to vector<16xf32>
        %max3A_315 = arith.maximumf %add3A_312, %max3A_314 : vector<16xf32>
        %mul3A_316 = arith.mulf %gather3A_236, %get3A_13 : vector<16xf32>
        %mul3A_317 = arith.mulf %gather3A_240, %get3A_21 : vector<16xf32>
        %mul3A_318 = arith.mulf %gather3A_244, %get3A_29 : vector<16xf32>
        %mul3A_319 = arith.mulf %gather3A_248, %get3A_37 : vector<16xf32>
        %mul3A_320 = arith.mulf %gather3A_252, %get3A_45 : vector<16xf32>
        %mul3A_321 = arith.mulf %gather3A_256, %get3A_53 : vector<16xf32>
        %mul3A_322 = arith.mulf %gather3A_260, %get3A_61 : vector<16xf32>
        %mul3A_323 = arith.mulf %gather3A_264, %get3A_69 : vector<16xf32>
        %add3A_324 = arith.addf %mul3A_316, %mul3A_317 : vector<16xf32>
        %add3A_325 = arith.addf %mul3A_318, %mul3A_319 : vector<16xf32>
        %add3A_326 = arith.addf %mul3A_320, %mul3A_321 : vector<16xf32>
        %add3A_327 = arith.addf %mul3A_322, %mul3A_323 : vector<16xf32>
        %add3A_328 = arith.addf %add3A_324, %add3A_325 : vector<16xf32>
        %add3A_329 = arith.addf %add3A_326, %add3A_327 : vector<16xf32>
        %add3A_330 = arith.addf %add3A_328, %add3A_329 : vector<16xf32>
        %mul3A_331 = arith.mulf %add3A_330, %while3A_232 : vector<16xf32>
        %mul3A_332 = arith.constant 64 : i32
        %mul3A_333 = arith.muli %while3A_230, %mul3A_332 : i32
        %add3A_334 = arith.constant 32 : i32
        %add3A_335 = arith.addi %mul3A_333, %add3A_334 : i32
        %get3A_336 = arith.index_cast %add3A_335 : i32 to index
        %get3A_337 = tpu.vector_load %arg8[%get3A_336] {strides = array<i32>} : memref<32768xf32, #tpu.memory_space<vmem>>, vector<16xf32>,
        %add3A_338 = arith.addf %mul3A_331, %get3A_337 : vector<16xf32>
        %max3A_339 = arith.constant 0.000000e+00 : f32
        %max3A_340 = vector.broadcast %max3A_339 : f32 to vector<16xf32>
        %max3A_341 = arith.maximumf %add3A_338, %max3A_340 : vector<16xf32>
        %mul3A_342 = arith.mulf %gather3A_236, %get3A_15 : vector<16xf32>
        %mul3A_343 = arith.mulf %gather3A_240, %get3A_23 : vector<16xf32>
        %mul3A_344 = arith.mulf %gather3A_244, %get3A_31 : vector<16xf32>
        %mul3A_345 = arith.mulf %gather3A_248, %get3A_39 : vector<16xf32>
        %mul3A_346 = arith.mulf %gather3A_252, %get3A_47 : vector<16xf32>
        %mul3A_347 = arith.mulf %gather3A_256, %get3A_55 : vector<16xf32>
        %mul3A_348 = arith.mulf %gather3A_260, %get3A_63 : vector<16xf32>
        %mul3A_349 = arith.mulf %gather3A_264, %get3A_71 : vector<16xf32>
        %add3A_350 = arith.addf %mul3A_342, %mul3A_343 : vector<16xf32>
        %add3A_351 = arith.addf %mul3A_344, %mul3A_345 : vector<16xf32>
        %add3A_352 = arith.addf %mul3A_346, %mul3A_347 : vector<16xf32>
        %add3A_353 = arith.addf %mul3A_348, %mul3A_349 : vector<16xf32>
        %add3A_354 = arith.addf %add3A_350, %add3A_351 : vector<16xf32>
        %add3A_355 = arith.addf %add3A_352, %add3A_353 : vector<16xf32>
        %add3A_356 = arith.addf %add3A_354, %add3A_355 : vector<16xf32>
        %mul3A_357 = arith.mulf %add3A_356, %while3A_232 : vector<16xf32>
        %mul3A_358 = arith.constant 64 : i32
        %mul3A_359 = arith.muli %while3A_230, %mul3A_358 : i32
        %add3A_360 = arith.constant 48 : i32
        %add3A_361 = arith.addi %mul3A_359, %add3A_360 : i32
        %get3A_362 = arith.index_cast %add3A_361 : i32 to index
        %get3A_363 = tpu.vector_load %arg8[%get3A_362] {strides = array<i32>} : memref<32768xf32, #tpu.memory_space<vmem>>, vector<16xf32>,
        %add3A_364 = arith.addf %mul3A_357, %get3A_363 : vector<16xf32>
        %max3A_365 = arith.constant 0.000000e+00 : f32
        %max3A_366 = vector.broadcast %max3A_365 : f32 to vector<16xf32>
        %max3A_367 = arith.maximumf %add3A_364, %max3A_366 : vector<16xf32>
        %mul3A_368 = arith.mulf %max3A_289, %get3A_73 : vector<16xf32>
        %mul3A_369 = arith.mulf %max3A_315, %get3A_75 : vector<16xf32>
        %add3A_370 = arith.addf %mul3A_368, %mul3A_369 : vector<16xf32>
        %mul3A_371 = arith.mulf %max3A_341, %get3A_77 : vector<16xf32>
        %mul3A_372 = arith.mulf %max3A_367, %get3A_79 : vector<16xf32>
        %add3A_373 = arith.addf %mul3A_371, %mul3A_372 : vector<16xf32>
        %add3A_374 = arith.addf %add3A_370, %add3A_373 : vector<16xf32>
        %reduce_sum3A = arith.constant true
        %reduce_sum3A_375 = vector.broadcast %reduce_sum3A : i1 to vector<16xi1>
        %reduce_sum3A_376 = tpu.scan <sum>, %add3A_374 masked %reduce_sum3A_375 : vector<16xf32>, vector<16xi1> -> vector<16xf32>
        %reduce_sum3A_377 = vector.extract %reduce_sum3A_376[15] : f32 from vector<16xf32>
        %mul3A_378 = vector.broadcast %reduce_sum3A_377 : f32 to vector<16xf32>
        %mul3A_379 = arith.mulf %mul3A_378, %select_n3A_147 : vector<16xf32>
        %mul3A_380 = arith.mulf %max3A_289, %get3A_81 : vector<16xf32>
        %mul3A_381 = arith.mulf %max3A_315, %get3A_83 : vector<16xf32>
        %add3A_382 = arith.addf %mul3A_380, %mul3A_381 : vector<16xf32>
        %mul3A_383 = arith.mulf %max3A_341, %get3A_85 : vector<16xf32>
        %mul3A_384 = arith.mulf %max3A_367, %get3A_87 : vector<16xf32>
        %add3A_385 = arith.addf %mul3A_383, %mul3A_384 : vector<16xf32>
        %add3A_386 = arith.addf %add3A_382, %add3A_385 : vector<16xf32>
        %reduce_sum3A_387 = arith.constant true
        %reduce_sum3A_388 = vector.broadcast %reduce_sum3A_387 : i1 to vector<16xi1>
        %reduce_sum3A_389 = tpu.scan <sum>, %add3A_386 masked %reduce_sum3A_388 : vector<16xf32>, vector<16xi1> -> vector<16xf32>
        %reduce_sum3A_390 = vector.extract %reduce_sum3A_389[15] : f32 from vector<16xf32>
        %mul3A_391 = vector.broadcast %reduce_sum3A_390 : f32 to vector<16xf32>
        %mul3A_392 = arith.mulf %mul3A_391, %select_n3A_155 : vector<16xf32>
        %mul3A_393 = arith.mulf %max3A_289, %get3A_89 : vector<16xf32>
        %mul3A_394 = arith.mulf %max3A_315, %get3A_91 : vector<16xf32>
        %add3A_395 = arith.addf %mul3A_393, %mul3A_394 : vector<16xf32>
        %mul3A_396 = arith.mulf %max3A_341, %get3A_93 : vector<16xf32>
        %mul3A_397 = arith.mulf %max3A_367, %get3A_95 : vector<16xf32>
        %add3A_398 = arith.addf %mul3A_396, %mul3A_397 : vector<16xf32>
        %add3A_399 = arith.addf %add3A_395, %add3A_398 : vector<16xf32>
        %reduce_sum3A_400 = arith.constant true
        %reduce_sum3A_401 = vector.broadcast %reduce_sum3A_400 : i1 to vector<16xi1>
        %reduce_sum3A_402 = tpu.scan <sum>, %add3A_399 masked %reduce_sum3A_401 : vector<16xf32>, vector<16xi1> -> vector<16xf32>
        %reduce_sum3A_403 = vector.extract %reduce_sum3A_402[15] : f32 from vector<16xf32>
        %mul3A_404 = vector.broadcast %reduce_sum3A_403 : f32 to vector<16xf32>
        %mul3A_405 = arith.mulf %mul3A_404, %select_n3A_163 : vector<16xf32>
        %mul3A_406 = arith.mulf %max3A_289, %get3A_97 : vector<16xf32>
        %mul3A_407 = arith.mulf %max3A_315, %get3A_99 : vector<16xf32>
        %add3A_408 = arith.addf %mul3A_406, %mul3A_407 : vector<16xf32>
        %mul3A_409 = arith.mulf %max3A_341, %get3A_101 : vector<16xf32>
        %mul3A_410 = arith.mulf %max3A_367, %get3A_103 : vector<16xf32>
        %add3A_411 = arith.addf %mul3A_409, %mul3A_410 : vector<16xf32>
        %add3A_412 = arith.addf %add3A_408, %add3A_411 : vector<16xf32>
        %reduce_sum3A_413 = arith.constant true
        %reduce_sum3A_414 = vector.broadcast %reduce_sum3A_413 : i1 to vector<16xi1>
        %reduce_sum3A_415 = tpu.scan <sum>, %add3A_412 masked %reduce_sum3A_414 : vector<16xf32>, vector<16xi1> -> vector<16xf32>
        %reduce_sum3A_416 = vector.extract %reduce_sum3A_415[15] : f32 from vector<16xf32>
        %mul3A_417 = vector.broadcast %reduce_sum3A_416 : f32 to vector<16xf32>
        %mul3A_418 = arith.mulf %mul3A_417, %select_n3A_171 : vector<16xf32>
        %mul3A_419 = arith.mulf %max3A_289, %get3A_105 : vector<16xf32>
        %mul3A_420 = arith.mulf %max3A_315, %get3A_107 : vector<16xf32>
        %add3A_421 = arith.addf %mul3A_419, %mul3A_420 : vector<16xf32>
        %mul3A_422 = arith.mulf %max3A_341, %get3A_109 : vector<16xf32>
        %mul3A_423 = arith.mulf %max3A_367, %get3A_111 : vector<16xf32>
        %add3A_424 = arith.addf %mul3A_422, %mul3A_423 : vector<16xf32>
        %add3A_425 = arith.addf %add3A_421, %add3A_424 : vector<16xf32>
        %reduce_sum3A_426 = arith.constant true
        %reduce_sum3A_427 = vector.broadcast %reduce_sum3A_426 : i1 to vector<16xi1>
        %reduce_sum3A_428 = tpu.scan <sum>, %add3A_425 masked %reduce_sum3A_427 : vector<16xf32>, vector<16xi1> -> vector<16xf32>
        %reduce_sum3A_429 = vector.extract %reduce_sum3A_428[15] : f32 from vector<16xf32>
        %mul3A_430 = vector.broadcast %reduce_sum3A_429 : f32 to vector<16xf32>
        %mul3A_431 = arith.mulf %mul3A_430, %select_n3A_179 : vector<16xf32>
        %mul3A_432 = arith.mulf %max3A_289, %get3A_113 : vector<16xf32>
        %mul3A_433 = arith.mulf %max3A_315, %get3A_115 : vector<16xf32>
        %add3A_434 = arith.addf %mul3A_432, %mul3A_433 : vector<16xf32>
        %mul3A_435 = arith.mulf %max3A_341, %get3A_117 : vector<16xf32>
        %mul3A_436 = arith.mulf %max3A_367, %get3A_119 : vector<16xf32>
        %add3A_437 = arith.addf %mul3A_435, %mul3A_436 : vector<16xf32>
        %add3A_438 = arith.addf %add3A_434, %add3A_437 : vector<16xf32>
        %reduce_sum3A_439 = arith.constant true
        %reduce_sum3A_440 = vector.broadcast %reduce_sum3A_439 : i1 to vector<16xi1>
        %reduce_sum3A_441 = tpu.scan <sum>, %add3A_438 masked %reduce_sum3A_440 : vector<16xf32>, vector<16xi1> -> vector<16xf32>
        %reduce_sum3A_442 = vector.extract %reduce_sum3A_441[15] : f32 from vector<16xf32>
        %mul3A_443 = vector.broadcast %reduce_sum3A_442 : f32 to vector<16xf32>
        %mul3A_444 = arith.mulf %mul3A_443, %select_n3A_187 : vector<16xf32>
        %mul3A_445 = arith.mulf %max3A_289, %get3A_121 : vector<16xf32>
        %mul3A_446 = arith.mulf %max3A_315, %get3A_123 : vector<16xf32>
        %add3A_447 = arith.addf %mul3A_445, %mul3A_446 : vector<16xf32>
        %mul3A_448 = arith.mulf %max3A_341, %get3A_125 : vector<16xf32>
        %mul3A_449 = arith.mulf %max3A_367, %get3A_127 : vector<16xf32>
        %add3A_450 = arith.addf %mul3A_448, %mul3A_449 : vector<16xf32>
        %add3A_451 = arith.addf %add3A_447, %add3A_450 : vector<16xf32>
        %reduce_sum3A_452 = arith.constant true
        %reduce_sum3A_453 = vector.broadcast %reduce_sum3A_452 : i1 to vector<16xi1>
        %reduce_sum3A_454 = tpu.scan <sum>, %add3A_451 masked %reduce_sum3A_453 : vector<16xf32>, vector<16xi1> -> vector<16xf32>
        %reduce_sum3A_455 = vector.extract %reduce_sum3A_454[15] : f32 from vector<16xf32>
        %mul3A_456 = vector.broadcast %reduce_sum3A_455 : f32 to vector<16xf32>
        %mul3A_457 = arith.mulf %mul3A_456, %select_n3A_195 : vector<16xf32>
        %mul3A_458 = arith.mulf %max3A_289, %get3A_129 : vector<16xf32>
        %mul3A_459 = arith.mulf %max3A_315, %get3A_131 : vector<16xf32>
        %add3A_460 = arith.addf %mul3A_458, %mul3A_459 : vector<16xf32>
        %mul3A_461 = arith.mulf %max3A_341, %get3A_133 : vector<16xf32>
        %mul3A_462 = arith.mulf %max3A_367, %get3A_135 : vector<16xf32>
        %add3A_463 = arith.addf %mul3A_461, %mul3A_462 : vector<16xf32>
        %add3A_464 = arith.addf %add3A_460, %add3A_463 : vector<16xf32>
        %reduce_sum3A_465 = arith.constant true
        %reduce_sum3A_466 = vector.broadcast %reduce_sum3A_465 : i1 to vector<16xi1>
        %reduce_sum3A_467 = tpu.scan <sum>, %add3A_464 masked %reduce_sum3A_466 : vector<16xf32>, vector<16xi1> -> vector<16xf32>
        %reduce_sum3A_468 = vector.extract %reduce_sum3A_467[15] : f32 from vector<16xf32>
        %mul3A_469 = vector.broadcast %reduce_sum3A_468 : f32 to vector<16xf32>
        %mul3A_470 = arith.mulf %mul3A_469, %select_n3A_203 : vector<16xf32>
        %add3A_471 = arith.addf %mul3A_379, %mul3A_392 : vector<16xf32>
        %add3A_472 = arith.addf %mul3A_405, %mul3A_418 : vector<16xf32>
        %add3A_473 = arith.addf %mul3A_431, %mul3A_444 : vector<16xf32>
        %add3A_474 = arith.addf %mul3A_457, %mul3A_470 : vector<16xf32>
        %add3A_475 = arith.addf %add3A_471, %add3A_472 : vector<16xf32>
        %add3A_476 = arith.addf %add3A_473, %add3A_474 : vector<16xf32>
        %add3A_477 = arith.addf %add3A_475, %add3A_476 : vector<16xf32>
        %add3A_478 = arith.addf %get3A_7, %add3A_477 : vector<16xf32>
        %exp3A = math.exp %add3A_478 : vector<16xf32>
        %reduce_sum3A_479 = arith.constant true
        %reduce_sum3A_480 = vector.broadcast %reduce_sum3A_479 : i1 to vector<16xi1>
        %reduce_sum3A_481 = tpu.scan <sum>, %exp3A masked %reduce_sum3A_480 : vector<16xf32>, vector<16xi1> -> vector<16xf32>
        %reduce_sum3A_482 = vector.extract %reduce_sum3A_481[15] : f32 from vector<16xf32>
        %broadcast_in_dim3A_483 = vector.broadcast %reduce_sum3A_482 : f32 to vector<16xf32>
        %broadcast_in_dim3A_484 = arith.constant 1.000000e+00 : f32
        %broadcast_in_dim3A_485 = vector.broadcast %broadcast_in_dim3A_484 : f32 to vector<16xf32>
        %div3A = arith.divf %broadcast_in_dim3A_485, %broadcast_in_dim3A_483 : vector<16xf32>
        %eq3A_486 = arith.constant 8 : i32
        %eq3A_487 = vector.broadcast %eq3A_486 : i32 to vector<16xi32>
        %eq3A_488 = arith.cmpi eq, %iota3A, %eq3A_487 : vector<16xi32>
        %broadcast_in_dim3A_489 = vector.broadcast %reduce_sum3A_482 : f32 to vector<16xf32>
        %select_n3A_490 = arith.select %eq3A_488, %broadcast_in_dim3A_489, %add3A_478 : vector<16xi1>, vector<16xf32>
        %swap3A = arith.index_cast %while3A_230 : i32 to index
        %swap3A_491 = arith.constant 0 : index
        %swap3A_492 = tpu.vector_load %arg13[%swap3A, %swap3A_491] {strides = array<i32>} : memref<512x128xf32, #tpu.memory_space<vmem>>, vector<16xf32>,
        tpu.vector_store %arg13[%swap3A, %swap3A_491], %select_n3A_490 {strides = array<i32>} : memref<512x128xf32, #tpu.memory_space<vmem>>, vector<16xf32>,
        scf.yield %exp3A, %div3A : vector<16xf32>, vector<16xf32>
      }
      %sub3A = arith.constant 1 : i32
      %sub3A_216 = arith.subi %squeeze3A, %sub3A : i32
      %get3A_217 = arith.index_cast %sub3A_216 : i32 to index
      %get3A_218 = arith.constant 0 : index
      %get3A_219 = tpu.vector_load %arg13[%get3A_217, %get3A_218] {strides = array<i32>} : memref<512x128xf32, #tpu.memory_space<vmem>>, vector<16xf32>,
      %while3A_220 = arith.constant 0 : i32
      %while3A_221 = arith.constant 512 : i32
      %while3A_222 = arith.subi %while3A_221, %squeeze3A : i32
      %while3A_223 = arith.addi %squeeze3A, %while3A_222 : i32
      %while3A_224 = arith.constant 1 : i32
      %while3A_225 = arith.divsi %while3A_222, %while3A_224 : i32
      %while3A_226 = arith.muli %while3A_225, %while3A_224 : i32
      %while3A_227 = arith.addi %squeeze3A, %while3A_226 : i32
      %while3A_228 = arith.constant 1 : i32
      scf.for %while3A_230 = %squeeze3A to %while3A_227 step %while3A_228  : i32 {
        %swap3A = arith.index_cast %while3A_230 : i32 to index
        %swap3A_231 = arith.constant 0 : index
        %swap3A_232 = tpu.vector_load %arg13[%swap3A, %swap3A_231] {strides = array<i32>} : memref<512x128xf32, #tpu.memory_space<vmem>>, vector<16xf32>,
        tpu.vector_store %arg13[%swap3A, %swap3A_231], %get3A_219 {strides = array<i32>} : memref<512x128xf32, #tpu.memory_space<vmem>>, vector<16xf32>,
      }
      %while3A_229 = arith.constant 1 : i32
      scf.for %while3A_230 = %while3A_227 to %while3A_223 step %while3A_229  : i32 {
        %swap3A = arith.index_cast %while3A_230 : i32 to index
        %swap3A_231 = arith.constant 0 : index
        %swap3A_232 = tpu.vector_load %arg13[%swap3A, %swap3A_231] {strides = array<i32>} : memref<512x128xf32, #tpu.memory_space<vmem>>, vector<16xf32>,
        tpu.vector_store %arg13[%swap3A, %swap3A_231], %get3A_219 {strides = array<i32>} : memref<512x128xf32, #tpu.memory_space<vmem>>, vector<16xf32>,
      }
      "tpu.region"() ({
        %run_scoped3A = tpu.sem_alloc : memref<!tpu.dma_semaphore, #tpu.memory_space<semaphore_mem>>
        %dma_start3A = arith.constant 0 : i32
        %dma_start3A_230 = arith.constant 0 : i32
        %dma_start3A_231 = tpu.memref_slice %arg7[%add3A, %dma_start3A, %dma_start3A_230] : memref<16x512x128xf32, #tpu.memory_space<hbm>> -> memref<1x512x128xf32, #tpu.memory_space<hbm>>
        %dma_start3A_232 = tpu.memref_squeeze %dma_start3A_231 : memref<1x512x128xf32, #tpu.memory_space<hbm>> -> memref<512x128xf32, #tpu.memory_space<hbm>>
        %dma_start3A_233 = arith.constant 0 : i32
        %dma_start3A_234 = arith.constant 0 : i32
        %dma_start3A_235 = tpu.memref_slice %arg7[%add3A, %dma_start3A_233, %dma_start3A_234] : memref<16x512x128xf32, #tpu.memory_space<hbm>> -> memref<1x512x128xf32, #tpu.memory_space<hbm>>
        %dma_start3A_236 = tpu.memref_squeeze %dma_start3A_235 : memref<1x512x128xf32, #tpu.memory_space<hbm>> -> memref<512x128xf32, #tpu.memory_space<hbm>>
        tpu.enqueue_dma source(%arg13 : memref<512x128xf32, #tpu.memory_space<vmem>>) target(%dma_start3A_236 : memref<512x128xf32, #tpu.memory_space<hbm>>) target_semaphore(%run_scoped3A : memref<!tpu.dma_semaphore, #tpu.memory_space<semaphore_mem>>)
        %dma_wait3A = arith.constant 0 : i32
        %dma_wait3A_237 = arith.constant 0 : i32
        %dma_wait3A_238 = tpu.memref_slice %arg7[%add3A, %dma_wait3A, %dma_wait3A_237] : memref<16x512x128xf32, #tpu.memory_space<hbm>> -> memref<1x512x128xf32, #tpu.memory_space<hbm>>
        %dma_wait3A_239 = tpu.memref_squeeze %dma_wait3A_238 : memref<1x512x128xf32, #tpu.memory_space<hbm>> -> memref<512x128xf32, #tpu.memory_space<hbm>>
        %dma_wait3A_240 = arith.constant 0 : i32
        %dma_wait3A_241 = arith.constant 0 : i32
        %dma_wait3A_242 = tpu.memref_slice %arg7[%add3A, %dma_wait3A_240, %dma_wait3A_241] : memref<16x512x128xf32, #tpu.memory_space<hbm>> -> memref<1x512x128xf32, #tpu.memory_space<hbm>>
        %dma_wait3A_243 = tpu.memref_squeeze %dma_wait3A_242 : memref<1x512x128xf32, #tpu.memory_space<hbm>> -> memref<512x128xf32, #tpu.memory_space<hbm>>
        tpu.wait_dma2 semaphore(%run_scoped3A : memref<!tpu.dma_semaphore, #tpu.memory_space<semaphore_mem>>) src(%arg13 : memref<512x128xf32, #tpu.memory_space<vmem>>) dst(%dma_wait3A_243 : memref<512x128xf32, #tpu.memory_space<hbm>>)
        tpu.yield
      }) : () -> ()
    } else {
    }
    return
  }
}

module attributes {stable_mosaic.version = 14 : i64} {
  func.func @_dense_kernel(%arg0: i32, %arg1: memref<1024x784xf32, #tpu.memory_space<vmem>>, %arg2: memref<784x10xf32, #tpu.memory_space<vmem>>, %arg3: memref<1x10xf32, #tpu.memory_space<vmem>>, %arg4: memref<10x64xf32, #tpu.memory_space<vmem>>, %arg5: memref<1x64xf32, #tpu.memory_space<vmem>>, %arg6: memref<64x2xf32, #tpu.memory_space<vmem>>, %arg7: memref<1x2xf32, #tpu.memory_space<vmem>>, %arg8: memref<2x64xf32, #tpu.memory_space<vmem>>, %arg9: memref<1x64xf32, #tpu.memory_space<vmem>>, %arg10: memref<1024x10xf32, #tpu.memory_space<vmem>>, %arg11: memref<1024x2xf32, #tpu.memory_space<vmem>>, %arg12: memref<1024x64xf32, #tpu.memory_space<vmem>>) attributes {dimension_semantics = [#tpu.dimension_semantics<arbitrary>], iteration_bounds = array<i64: 8>, scalar_prefetch = 0 : i64, scratch_operands = 0 : i64, tpu.core_type = #tpu.core_type<tc>, window_params = [{transform_indices = @transform_0, window_bounds = array<i64: 1024, 784>}, {pipeline_mode = #tpu.pipeline_mode<synchronous>, transform_indices = @transform_1, window_bounds = array<i64: 784, 10>}, {pipeline_mode = #tpu.pipeline_mode<synchronous>, transform_indices = @transform_2, window_bounds = array<i64: 1, 10>}, {pipeline_mode = #tpu.pipeline_mode<synchronous>, transform_indices = @transform_3, window_bounds = array<i64: 10, 64>}, {pipeline_mode = #tpu.pipeline_mode<synchronous>, transform_indices = @transform_4, window_bounds = array<i64: 1, 64>}, {pipeline_mode = #tpu.pipeline_mode<synchronous>, transform_indices = @transform_5, window_bounds = array<i64: 64, 2>}, {pipeline_mode = #tpu.pipeline_mode<synchronous>, transform_indices = @transform_6, window_bounds = array<i64: 1, 2>}, {pipeline_mode = #tpu.pipeline_mode<synchronous>, transform_indices = @transform_7, window_bounds = array<i64: 2, 64>}, {pipeline_mode = #tpu.pipeline_mode<synchronous>, transform_indices = @transform_8, window_bounds = array<i64: 1, 64>}, {transform_indices = @transform_9, window_bounds = array<i64: 1024, 10>}, {transform_indices = @transform_10, window_bounds = array<i64: 1024, 2>}, {transform_indices = @transform_11, window_bounds = array<i64: 1024, 64>}]} {
    %get3A = arith.constant 0 : index
    %get3A_0 = arith.constant 0 : index
    %get3A_1 = vector.load %arg1[%get3A, %get3A_0] : memref<1024x784xf32, #tpu.memory_space<vmem>>, vector<1024x784xf32>
    %get3A_2 = arith.constant 0 : index
    %get3A_3 = arith.constant 0 : index
    %get3A_4 = vector.load %arg2[%get3A_2, %get3A_3] : memref<784x10xf32, #tpu.memory_space<vmem>>, vector<784x10xf32>
    %dot_general3A = arith.constant dense<0.000000e+00> : vector<1024x10xf32>
    %dot_general3A_5 = tpu.matmul %get3A_1, %get3A_4, %dot_general3A {dimension_numbers = #tpu.dot_dimension_numbers<[1], [0], [0], [1], [0, 0, 1, 1], [], []>, transpose_lhs_hint = false} : vector<1024x784xf32>, vector<784x10xf32>, vector<1024x10xf32> -> vector<1024x10xf32>
    %get3A_6 = arith.constant 0 : index
    %get3A_7 = arith.constant 0 : index
    %get3A_8 = vector.load %arg3[%get3A_6, %get3A_7] : memref<1x10xf32, #tpu.memory_space<vmem>>, vector<1x10xf32>
    %add3A = vector.broadcast %get3A_8 : vector<1x10xf32> to vector<1024x10xf32>
    %add3A_9 = arith.addf %dot_general3A_5, %add3A : vector<1024x10xf32>
    %reduce_max3A = arith.constant dense<0xFF800000> : vector<1024xf32>
    %reduce_max3A_10 = vector.multi_reduction <maximumf>, %add3A_9, %reduce_max3A [1] : vector<1024x10xf32> to vector<1024xf32>
    %broadcast_in_dim3A = vector.shape_cast %reduce_max3A_10 : vector<1024xf32> to vector<1024x1xf32>
    %sub3A = vector.broadcast %broadcast_in_dim3A : vector<1024x1xf32> to vector<1024x10xf32>
    %sub3A_11 = arith.subf %add3A_9, %sub3A : vector<1024x10xf32>
    %exp3A = math.exp %sub3A_11 : vector<1024x10xf32>
    %reduce_sum3A = arith.constant dense<0.000000e+00> : vector<1024xf32>
    %reduce_sum3A_12 = vector.multi_reduction <add>, %exp3A, %reduce_sum3A [1] : vector<1024x10xf32> to vector<1024xf32>
    %broadcast_in_dim3A_13 = vector.shape_cast %reduce_sum3A_12 : vector<1024xf32> to vector<1024x1xf32>
    %log3A = math.log %broadcast_in_dim3A_13 : vector<1024x1xf32>
    %add3A_14 = arith.addf %broadcast_in_dim3A, %log3A : vector<1024x1xf32>
    %sub3A_15 = vector.broadcast %add3A_14 : vector<1024x1xf32> to vector<1024x10xf32>
    %sub3A_16 = arith.subf %add3A_9, %sub3A_15 : vector<1024x10xf32>
    %exp3A_17 = math.exp %sub3A_16 : vector<1024x10xf32>
    %get3A_18 = arith.constant 0 : index
    %get3A_19 = arith.constant 0 : index
    %get3A_20 = vector.load %arg4[%get3A_18, %get3A_19] : memref<10x64xf32, #tpu.memory_space<vmem>>, vector<10x64xf32>
    %dot_general3A_21 = arith.constant dense<0.000000e+00> : vector<1024x64xf32>
    %dot_general3A_22 = tpu.matmul %exp3A_17, %get3A_20, %dot_general3A_21 {dimension_numbers = #tpu.dot_dimension_numbers<[1], [0], [0], [1], [0, 0, 1, 1], [], []>, transpose_lhs_hint = false} : vector<1024x10xf32>, vector<10x64xf32>, vector<1024x64xf32> -> vector<1024x64xf32>
    %get3A_23 = arith.constant 0 : index
    %get3A_24 = arith.constant 0 : index
    %get3A_25 = vector.load %arg5[%get3A_23, %get3A_24] : memref<1x64xf32, #tpu.memory_space<vmem>>, vector<1x64xf32>
    %add3A_26 = vector.broadcast %get3A_25 : vector<1x64xf32> to vector<1024x64xf32>
    %add3A_27 = arith.addf %dot_general3A_22, %add3A_26 : vector<1024x64xf32>
    %max3A = arith.constant 0.000000e+00 : f32
    %max3A_28 = vector.broadcast %max3A : f32 to vector<1024x64xf32>
    %max3A_29 = arith.maximumf %add3A_27, %max3A_28 : vector<1024x64xf32>
    %get3A_30 = arith.constant 0 : index
    %get3A_31 = arith.constant 0 : index
    %get3A_32 = vector.load %arg6[%get3A_30, %get3A_31] : memref<64x2xf32, #tpu.memory_space<vmem>>, vector<64x2xf32>
    %dot_general3A_33 = arith.constant dense<0.000000e+00> : vector<1024x2xf32>
    %dot_general3A_34 = tpu.matmul %max3A_29, %get3A_32, %dot_general3A_33 {dimension_numbers = #tpu.dot_dimension_numbers<[1], [0], [0], [1], [0, 0, 1, 1], [], []>, transpose_lhs_hint = false} : vector<1024x64xf32>, vector<64x2xf32>, vector<1024x2xf32> -> vector<1024x2xf32>
    %get3A_35 = arith.constant 0 : index
    %get3A_36 = arith.constant 0 : index
    %get3A_37 = vector.load %arg7[%get3A_35, %get3A_36] : memref<1x2xf32, #tpu.memory_space<vmem>>, vector<1x2xf32>
    %add3A_38 = vector.broadcast %get3A_37 : vector<1x2xf32> to vector<1024x2xf32>
    %add3A_39 = arith.addf %dot_general3A_34, %add3A_38 : vector<1024x2xf32>
    %neg3A = arith.constant 0.000000e+00 : f32
    %neg3A_40 = vector.broadcast %neg3A : f32 to vector<1024x2xf32>
    %neg3A_41 = arith.subf %neg3A_40, %add3A_39 : vector<1024x2xf32>
    %exp3A_42 = math.exp %neg3A_41 : vector<1024x2xf32>
    %add3A_43 = arith.constant 1.000000e+00 : f32
    %add3A_44 = vector.broadcast %add3A_43 : f32 to vector<1024x2xf32>
    %add3A_45 = arith.addf %add3A_44, %exp3A_42 : vector<1024x2xf32>
    %div3A = arith.constant 1.000000e+00 : f32
    %div3A_46 = vector.broadcast %div3A : f32 to vector<1024x2xf32>
    %div3A_47 = arith.divf %div3A_46, %add3A_45 : vector<1024x2xf32>
    %get3A_48 = arith.constant 0 : index
    %get3A_49 = arith.constant 0 : index
    %get3A_50 = vector.load %arg8[%get3A_48, %get3A_49] : memref<2x64xf32, #tpu.memory_space<vmem>>, vector<2x64xf32>
    %dot_general3A_51 = arith.constant dense<0.000000e+00> : vector<1024x64xf32>
    %dot_general3A_52 = tpu.matmul %div3A_47, %get3A_50, %dot_general3A_51 {dimension_numbers = #tpu.dot_dimension_numbers<[1], [0], [0], [1], [0, 0, 1, 1], [], []>, transpose_lhs_hint = false} : vector<1024x2xf32>, vector<2x64xf32>, vector<1024x64xf32> -> vector<1024x64xf32>
    %get3A_53 = arith.constant 0 : index
    %get3A_54 = arith.constant 0 : index
    %get3A_55 = vector.load %arg9[%get3A_53, %get3A_54] : memref<1x64xf32, #tpu.memory_space<vmem>>, vector<1x64xf32>
    %add3A_56 = vector.broadcast %get3A_55 : vector<1x64xf32> to vector<1024x64xf32>
    %add3A_57 = arith.addf %dot_general3A_52, %add3A_56 : vector<1024x64xf32>
    %swap3A = arith.constant 0 : index
    %swap3A_58 = arith.constant 0 : index
    %swap3A_59 = vector.load %arg10[%swap3A, %swap3A_58] : memref<1024x10xf32, #tpu.memory_space<vmem>>, vector<1024x10xf32>
    tpu.vector_store %arg10[%swap3A, %swap3A_58], %sub3A_16 {strides = array<i32>} : memref<1024x10xf32, #tpu.memory_space<vmem>>, vector<1024x10xf32>,
    %swap3A_60 = arith.constant 0 : index
    %swap3A_61 = arith.constant 0 : index
    %swap3A_62 = vector.load %arg11[%swap3A_60, %swap3A_61] : memref<1024x2xf32, #tpu.memory_space<vmem>>, vector<1024x2xf32>
    tpu.vector_store %arg11[%swap3A_60, %swap3A_61], %div3A_47 {strides = array<i32>} : memref<1024x2xf32, #tpu.memory_space<vmem>>, vector<1024x2xf32>,
    %swap3A_63 = arith.constant 0 : index
    %swap3A_64 = arith.constant 0 : index
    %swap3A_65 = vector.load %arg12[%swap3A_63, %swap3A_64] : memref<1024x64xf32, #tpu.memory_space<vmem>>, vector<1024x64xf32>
    tpu.vector_store %arg12[%swap3A_63, %swap3A_64], %add3A_57 {strides = array<i32>} : memref<1024x64xf32, #tpu.memory_space<vmem>>, vector<1024x64xf32>,
    return
  }
  func.func @transform_0(%arg0: i32) -> (i32, i32) {
    %c0_i32 = arith.constant 0 : i32
    %c0_i32_0 = arith.constant 0 : i32
    return %arg0, %c0_i32 : i32, i32
  }
  func.func @transform_1(%arg0: i32) -> (i32, i32) {
    %c0_i32 = arith.constant 0 : i32
    %c0_i32_0 = arith.constant 0 : i32
    %c0_i32_1 = arith.constant 0 : i32
    return %c0_i32, %c0_i32_0 : i32, i32
  }
  func.func @transform_2(%arg0: i32) -> (i32, i32) {
    %c0_i32 = arith.constant 0 : i32
    %c0_i32_0 = arith.constant 0 : i32
    %c0_i32_1 = arith.constant 0 : i32
    return %c0_i32, %c0_i32_0 : i32, i32
  }
  func.func @transform_3(%arg0: i32) -> (i32, i32) {
    %c0_i32 = arith.constant 0 : i32
    %c0_i32_0 = arith.constant 0 : i32
    %c0_i32_1 = arith.constant 0 : i32
    return %c0_i32, %c0_i32_0 : i32, i32
  }
  func.func @transform_4(%arg0: i32) -> (i32, i32) {
    %c0_i32 = arith.constant 0 : i32
    %c0_i32_0 = arith.constant 0 : i32
    %c0_i32_1 = arith.constant 0 : i32
    return %c0_i32, %c0_i32_0 : i32, i32
  }
  func.func @transform_5(%arg0: i32) -> (i32, i32) {
    %c0_i32 = arith.constant 0 : i32
    %c0_i32_0 = arith.constant 0 : i32
    %c0_i32_1 = arith.constant 0 : i32
    return %c0_i32, %c0_i32_0 : i32, i32
  }
  func.func @transform_6(%arg0: i32) -> (i32, i32) {
    %c0_i32 = arith.constant 0 : i32
    %c0_i32_0 = arith.constant 0 : i32
    %c0_i32_1 = arith.constant 0 : i32
    return %c0_i32, %c0_i32_0 : i32, i32
  }
  func.func @transform_7(%arg0: i32) -> (i32, i32) {
    %c0_i32 = arith.constant 0 : i32
    %c0_i32_0 = arith.constant 0 : i32
    %c0_i32_1 = arith.constant 0 : i32
    return %c0_i32, %c0_i32_0 : i32, i32
  }
  func.func @transform_8(%arg0: i32) -> (i32, i32) {
    %c0_i32 = arith.constant 0 : i32
    %c0_i32_0 = arith.constant 0 : i32
    %c0_i32_1 = arith.constant 0 : i32
    return %c0_i32, %c0_i32_0 : i32, i32
  }
  func.func @transform_9(%arg0: i32) -> (i32, i32) {
    %c0_i32 = arith.constant 0 : i32
    %c0_i32_0 = arith.constant 0 : i32
    return %arg0, %c0_i32 : i32, i32
  }
  func.func @transform_10(%arg0: i32) -> (i32, i32) {
    %c0_i32 = arith.constant 0 : i32
    %c0_i32_0 = arith.constant 0 : i32
    return %arg0, %c0_i32 : i32, i32
  }
  func.func @transform_11(%arg0: i32) -> (i32, i32) {
    %c0_i32 = arith.constant 0 : i32
    %c0_i32_0 = arith.constant 0 : i32
    return %arg0, %c0_i32 : i32, i32
  }
}

module attributes {stable_mosaic.version = 14 : i64} {
  func.func @_post_kernel(%arg0: memref<16x512x128xf32, #tpu.memory_space<vmem>>, %arg1: memref<16x512xf32, #tpu.memory_space<vmem>>, %arg2: memref<16x512x10xf32, #tpu.memory_space<vmem>>, %arg3: memref<16x512x2xf32, #tpu.memory_space<vmem>>, %arg4: memref<16x513x8xf32, #tpu.memory_space<vmem>>, %arg5: memref<16x1xf32, #tpu.memory_space<vmem>>, %arg6: memref<16x512x10xf32, #tpu.memory_space<vmem>>, %arg7: memref<16x512x2xf32, #tpu.memory_space<vmem>>) attributes {dimension_semantics = [], scalar_prefetch = 0 : i64, scratch_operands = 0 : i64, tpu.core_type = #tpu.core_type<tc>} {
    %get3A = arith.constant 0 : index
    %get3A_0 = arith.constant 0 : index
    %get3A_1 = arith.constant 0 : index
    %get3A_2 = vector.load %arg0[%get3A, %get3A_0, %get3A_1] : memref<16x512x128xf32, #tpu.memory_space<vmem>>, vector<16x512x128xf32>
    %slice3A = vector.extract_strided_slice %get3A_2 {offsets = [0, 0, 0], sizes = [16, 512, 8], strides = [1, 1, 1]} : vector<16x512x128xf32> to vector<16x512x8xf32>
    %slice3A_3 = vector.extract_strided_slice %get3A_2 {offsets = [0, 0, 8], sizes = [16, 512, 1], strides = [1, 1, 1]} : vector<16x512x128xf32> to vector<16x512x1xf32>
    %log3A = math.log %slice3A_3 : vector<16x512x1xf32>
    %sub3A = vector.broadcast %log3A : vector<16x512x1xf32> to vector<16x512x8xf32>
    %sub3A_4 = arith.subf %slice3A, %sub3A : vector<16x512x8xf32>
    %iota3A = tpu.iota {dimensions = array<i32: 2>} : vector<16x1x8xi32>
    %eq3A = arith.constant 0 : i32
    %eq3A_5 = vector.broadcast %eq3A : i32 to vector<16x1x8xi32>
    %eq3A_6 = arith.cmpi eq, %iota3A, %eq3A_5 : vector<16x1x8xi32>
    %jit3A = arith.constant 0.000000e+00 : f32
    %jit3A_7 = arith.constant 0xFF800000 : f32
    %broadcast_in_dim3A = vector.broadcast %jit3A : f32 to vector<16x1x8xf32>
    %broadcast_in_dim3A_8 = vector.broadcast %jit3A_7 : f32 to vector<16x1x8xf32>
    %select_n3A = arith.select %eq3A_6, %broadcast_in_dim3A, %broadcast_in_dim3A_8 : vector<16x1x8xi1>, vector<16x1x8xf32>
    %swap3A = arith.constant 0 : index
    %swap3A_9 = arith.constant 0 : index
    %swap3A_10 = arith.constant 0 : index
    %swap3A_11 = vector.load %arg4[%swap3A, %swap3A_9, %swap3A_10] : memref<16x513x8xf32, #tpu.memory_space<vmem>>, vector<16x1x8xf32>
    tpu.vector_store %arg4[%swap3A, %swap3A_9, %swap3A_10], %select_n3A {strides = array<i32>} : memref<16x513x8xf32, #tpu.memory_space<vmem>>, vector<16x1x8xf32>,
    %swap3A_12 = arith.constant 0 : index
    %swap3A_13 = arith.constant 1 : index
    %swap3A_14 = arith.constant 0 : index
    %swap3A_15 = vector.load %arg4[%swap3A_12, %swap3A_13, %swap3A_14] : memref<16x513x8xf32, #tpu.memory_space<vmem>>, vector<16x512x8xf32>
    tpu.vector_store %arg4[%swap3A_12, %swap3A_13, %swap3A_14], %sub3A_4 {strides = array<i32>} : memref<16x513x8xf32, #tpu.memory_space<vmem>>, vector<16x512x8xf32>,
    %slice3A_16 = vector.extract_strided_slice %sub3A_4 {offsets = [0, 511, 7], sizes = [16, 1, 1], strides = [1, 1, 1]} : vector<16x512x8xf32> to vector<16x1x1xf32>
    %squeeze3A = vector.shape_cast %slice3A_16 : vector<16x1x1xf32> to vector<16x1xf32>
    %exp3A = math.exp %squeeze3A : vector<16x1xf32>
    %swap3A_17 = arith.constant 0 : index
    %swap3A_18 = arith.constant 0 : index
    %swap3A_19 = vector.load %arg5[%swap3A_17, %swap3A_18] : memref<16x1xf32, #tpu.memory_space<vmem>>, vector<16x1xf32>
    tpu.vector_store %arg5[%swap3A_17, %swap3A_18], %exp3A {strides = array<i32>} : memref<16x1xf32, #tpu.memory_space<vmem>>, vector<16x1xf32>,
    %get3A_20 = arith.constant 0 : index
    %get3A_21 = arith.constant 0 : index
    %get3A_22 = vector.load %arg1[%get3A_20, %get3A_21] : memref<16x512xf32, #tpu.memory_space<vmem>>, vector<16x512xf32>
    %slice3A_23 = vector.extract_strided_slice %get3A_22 {offsets = [0, 1], sizes = [16, 511], strides = [1, 1]} : vector<16x512xf32> to vector<16x511xf32>
    %broadcast_in_dim3A_24 = arith.constant 0.000000e+00 : f32
    %broadcast_in_dim3A_25 = vector.broadcast %broadcast_in_dim3A_24 : f32 to vector<16x1xf32>
    %concatenate3A = tpu.concatenate %slice3A_23, %broadcast_in_dim3A_25 in 1 : vector<16x511xf32>, vector<16x1xf32> -> vector<16x512xf32>
    %sub3A_26 = arith.subf %get3A_22, %concatenate3A : vector<16x512xf32>
    %broadcast_in_dim3A_27 = vector.shape_cast %sub3A_26 : vector<16x512xf32> to vector<16x512x1xf32>
    %broadcast_in_dim3A_28 = vector.shape_cast %get3A_22 : vector<16x512xf32> to vector<16x512x1xf32>
    %gt3A = arith.constant 0.000000e+00 : f32
    %gt3A_29 = vector.broadcast %gt3A : f32 to vector<16x512x1xf32>
    %gt3A_30 = arith.cmpf ogt, %broadcast_in_dim3A_28, %gt3A_29 : vector<16x512x1xf32>
    %get3A_31 = arith.constant 0 : index
    %get3A_32 = arith.constant 0 : index
    %get3A_33 = arith.constant 0 : index
    %get3A_34 = vector.load %arg2[%get3A_31, %get3A_32, %get3A_33] : memref<16x512x10xf32, #tpu.memory_space<vmem>>, vector<16x512x10xf32>
    %mul3A = vector.broadcast %broadcast_in_dim3A_27 : vector<16x512x1xf32> to vector<16x512x10xf32>
    %mul3A_35 = arith.mulf %mul3A, %get3A_34 : vector<16x512x10xf32>
    %reduce_sum3A = arith.constant dense<0.000000e+00> : vector<16x10xf32>
    %reduce_sum3A_36 = vector.multi_reduction <add>, %mul3A_35, %reduce_sum3A [1] : vector<16x512x10xf32> to vector<16x10xf32>
    %broadcast_in_dim3A_37 = vector.shape_cast %reduce_sum3A_36 : vector<16x10xf32> to vector<16x1x10xf32>
    %broadcast_in_dim3A_38 = vector.shape_cast %broadcast_in_dim3A_37 : vector<16x1x10xf32> to vector<16x1x10xf32>
    %broadcast_in_dim3A_39 = vector.broadcast %broadcast_in_dim3A_38 : vector<16x1x10xf32> to vector<16x512x10xf32>
    %broadcast_in_dim3A_40 = vector.shape_cast %gt3A_30 : vector<16x512x1xi1> to vector<16x512x1xi1>
    %broadcast_in_dim3A_41 = vector.broadcast %broadcast_in_dim3A_40 : vector<16x512x1xi1> to vector<16x512x10xi1>
    %select_n3A_42 = arith.select %broadcast_in_dim3A_41, %get3A_34, %broadcast_in_dim3A_39 : vector<16x512x10xi1>, vector<16x512x10xf32>
    %swap3A_43 = arith.constant 0 : index
    %swap3A_44 = arith.constant 0 : index
    %swap3A_45 = arith.constant 0 : index
    %swap3A_46 = vector.load %arg6[%swap3A_43, %swap3A_44, %swap3A_45] : memref<16x512x10xf32, #tpu.memory_space<vmem>>, vector<16x512x10xf32>
    tpu.vector_store %arg6[%swap3A_43, %swap3A_44, %swap3A_45], %select_n3A_42 {strides = array<i32>} : memref<16x512x10xf32, #tpu.memory_space<vmem>>, vector<16x512x10xf32>,
    %get3A_47 = arith.constant 0 : index
    %get3A_48 = arith.constant 0 : index
    %get3A_49 = arith.constant 0 : index
    %get3A_50 = vector.load %arg3[%get3A_47, %get3A_48, %get3A_49] : memref<16x512x2xf32, #tpu.memory_space<vmem>>, vector<16x512x2xf32>
    %mul3A_51 = vector.broadcast %broadcast_in_dim3A_27 : vector<16x512x1xf32> to vector<16x512x2xf32>
    %mul3A_52 = arith.mulf %mul3A_51, %get3A_50 : vector<16x512x2xf32>
    %reduce_sum3A_53 = arith.constant dense<0.000000e+00> : vector<16x2xf32>
    %reduce_sum3A_54 = vector.multi_reduction <add>, %mul3A_52, %reduce_sum3A_53 [1] : vector<16x512x2xf32> to vector<16x2xf32>
    %broadcast_in_dim3A_55 = vector.shape_cast %reduce_sum3A_54 : vector<16x2xf32> to vector<16x1x2xf32>
    %broadcast_in_dim3A_56 = vector.shape_cast %broadcast_in_dim3A_55 : vector<16x1x2xf32> to vector<16x1x2xf32>
    %broadcast_in_dim3A_57 = vector.broadcast %broadcast_in_dim3A_56 : vector<16x1x2xf32> to vector<16x512x2xf32>
    %broadcast_in_dim3A_58 = vector.shape_cast %gt3A_30 : vector<16x512x1xi1> to vector<16x512x1xi1>
    %broadcast_in_dim3A_59 = vector.broadcast %broadcast_in_dim3A_58 : vector<16x512x1xi1> to vector<16x512x2xi1>
    %select_n3A_60 = arith.select %broadcast_in_dim3A_59, %get3A_50, %broadcast_in_dim3A_57 : vector<16x512x2xi1>, vector<16x512x2xf32>
    %swap3A_61 = arith.constant 0 : index
    %swap3A_62 = arith.constant 0 : index
    %swap3A_63 = arith.constant 0 : index
    %swap3A_64 = vector.load %arg7[%swap3A_61, %swap3A_62, %swap3A_63] : memref<16x512x2xf32, #tpu.memory_space<vmem>>, vector<16x512x2xf32>
    tpu.vector_store %arg7[%swap3A_61, %swap3A_62, %swap3A_63], %select_n3A_60 {strides = array<i32>} : memref<16x512x2xf32, #tpu.memory_space<vmem>>, vector<16x512x2xf32>,
    return
  }
}

</mosaic_0001>

<sc_bundles>
// kernel: kernel.5.cloned.1.call-start
scs
__scs_entry_jumppad:
0x0: {  	(pc) =	sbr.rel $0x88, $3  }
0x1: {  	(tag) =	ssettag $0x0;
	lr =	simm.s32 $0x1  }
0x2: {  	[smem:$0x3F95] =	sst lr;
	_ =	strace $0xD0000000  }
0x3: {  	_ = 	snop  }
0x4: {  	_ = 	snop  }
0x5: {  	_ = 	snop  }
0x6: {  	_ = 	snop  }
0x7: {  	_ = 	snop  }
__scs_overlays_trampoline_lowered:
0x8: {  	[smem:$0x3FA4] =	sst s0  }
0x9: {  	[smem:$0x3FA5] =	sst s1  }
0xa: {  	[smem:$0x3FA6] =	sst s2  }
0xb: {  	[smem:$0x3FA7] =	sst s3  }
0xc: {  	[smem:$0x3FA8] =	sst s4  }
0xd: {  	[smem:$0x3FA9] =	sst s5  }
0xe: {  	[smem:$0x3FAA] =	sst s6  }
0xf: {  	[smem:$0x3FAB] =	sst s7  }
0x10: {  	[smem:$0x3FAC] =	sst s8  }
0x11: {  	[smem:$0x3FAD] =	sst s9;
	s0 =	simm.s32 @!p0 $0x0  }
0x12: {  	s1 =	sld [smem:$0x3F93];
	s0 =	simm.s32 @p0 $0x1  }
0x13: {  	[smem:$0x3FAE] =	sst s0;
	s0 =	simm.s32 @!p1 $0x0  }
0x14: {  	s2 =	sld [smem:$0x3F92];
	s0 =	simm.s32 @p1 $0x1  }
0x15: {  	[smem:$0x3FAF] =	sst s0;
	s0 =	simm.s32 @!p2 $0x0  }
0x16: {  	s3 =	sld [smem:$0x3FDB];
	s0 =	simm.s32 @p2 $0x1  }
0x17: {  	s4 =	simm.s32 $0x1BF5;
	[smem:$0x3FB1] =	sst s0  }
0x18: {  	s0 =	sld [smem:$0x3F94];
	_ =	swait.ge [sflag:s4], $0x0  }
0x19: {  	s7 =	sld [smem:$0x3F95]  }
0x1a: {  	s8 =	sadd.s32 $0xFFFFE003, lr  }
0x1b: {  	s9 =	sadd.s32 $0xFFFFFEF7, lr;
	s5 =	simm.s32 $0xFFFFFFFF;
	p2 =	slt.u32 s8, $0xFFFFF086  }
0x1c: {  	p1 =	slt.u32 s9, $0xF7A;
	s5 =	simm.s32 @!p2 $0x0  }
0x1d: {  	s5 =	simm.s32 @p1 $0x1;
	p0 =	seq.s32 s7, s2  }
0x1e: {  	s7 =	smul.u32 @!p0 $0xF7A, s2;
	p2 =	seq.s32 @!p0 s5, $0x0  }
0x1f: {  	s9 =	smul.u32 $0xF7A, s1;
	s8 =	simm.s32 @!p0 $0x1BF5;
	p2 =	por !p2, p0  }
0x20: {  	[sflag:s8] =	ssyncset.s32 @!p0 $0xFFFFF086;
	s6 =	sadd.s32 @!p0 s3, s7;
	s7 =	simm.s32 @!p0 $0x108  }
0x21: {  	s3 =	sadd.s32 s3, s9;
	s6 =	sadd.s32 @!p0 $0x88, s6;
	s7 =	simm.s32 @p2 $0x1082  }
0x22: {  	[simem:s7], [sflag:s8] =	dma.local @!p0 [hbm:s6], $0xF7A  }
0x23: {  	s9 =	sor.u32 $0xD0000000, s2;
	s6 =	simm.s32 $0x108;
	_ =	swait.ge @!p0 [sflag:s8], $0x0  }
0x24: {  	s3 =	sadd.s32 $0x88, s3;
	s6 =	simm.s32 @!p1 $0x1082;
	[sflag:s4] =	ssyncset.s32 $0xFFFFF086  }
0x25: {  	[simem:s6], [sflag:s4] =	dma.local [hbm:s3], $0xF7A  }
0x26: {  	[smem:$0x3F95] =	sst s1;
	(tag) =	ssettag s2;
	_ =	strace s9  }
0x27: {  	s1 =	sld [smem:$0x3FA5]  }
0x28: {  	s2 =	sld [smem:$0x3FA6]  }
0x29: {  	s4 =	sld [smem:$0x3FA8]  }
0x2a: {  	p0 =	seq.s32 s5, $0x0;
	s5 =	sld [smem:$0x3FA9]  }
0x2b: {  	s6 =	sld [smem:$0x3FAA]  }
0x2c: {  	s7 =	sld [smem:$0x3FAB]  }
0x2d: {  	s3 =	simm.s32 $0x108;
	s8 =	sld [smem:$0x3FAC]  }
0x2e: {  	s3 =	simm.s32 @!p0 $0x1082;
	s9 =	sld [smem:$0x3FAD]  }
0x2f: {  	lr =	sadd.s32 s0, s3;
	s0 =	sld [smem:$0x3FA4]  }
0x30: {  	s3 =	sld [smem:$0x3FA7]  }
0x31: {  	[smem:$0x3FB0] =	sst s10  }
0x32: {  	s10 =	sld [smem:$0x3FAE];
	_ =	sdelay $0x3  }
0x33: {  	p0 =	seq.s32 s10, $0x1;
	s10 =	sld [smem:$0x3FB0];
	_ =	sdelay $0x3  }
0x34: {  	[smem:$0x3FB0] =	sst s10  }
0x35: {  	s10 =	sld [smem:$0x3FAF];
	_ =	sdelay $0x3  }
0x36: {  	p1 =	seq.s32 s10, $0x1;
	s10 =	sld [smem:$0x3FB0];
	_ =	sdelay $0x3  }
0x37: {  	[smem:$0x3FB0] =	sst s10  }
0x38: {  	s10 =	sld [smem:$0x3FB1]  }
0x39: {  	_ = 	snop;
	(pc) =	sbr.ind lr, $3  }
0x3a: {  	_ = 	snop  }
0x3b: {  	_ = 	snop  }
0x3c: {  	p2 =	seq.s32 s10, $0x1;
	s10 =	sld [smem:$0x3FB0]  }
0x3d: {  	_ =	shalt  }
0x3e: {  	_ =	shalt  }
0x3f: {  	_ =	shalt  }
0x40: {  	_ =	shalt  }
0x41: {  	_ =	shalt  }
0x42: {  	_ =	shalt  }
0x43: {  	_ =	shalt  }
0x44: {  	_ =	shalt  }
0x45: {  	_ =	shalt  }
0x46: {  	_ =	shalt  }
0x47: {  	_ =	shalt  }
0x48: {  	_ =	shalt  }
0x49: {  	_ =	shalt  }
0x4a: {  	_ =	shalt  }
0x4b: {  	_ =	shalt  }
0x4c: {  	_ =	shalt  }
0x4d: {  	_ =	shalt  }
0x4e: {  	_ =	shalt  }
0x4f: {  	_ =	shalt  }
0x50: {  	_ =	shalt  }
0x51: {  	_ =	shalt  }
0x52: {  	_ =	shalt  }
0x53: {  	_ =	shalt  }
0x54: {  	_ =	shalt  }
0x55: {  	_ =	shalt  }
0x56: {  	_ =	shalt  }
0x57: {  	_ =	shalt  }
0x58: {  	_ =	shalt  }
0x59: {  	_ =	shalt  }
0x5a: {  	_ =	shalt  }
0x5b: {  	_ =	shalt  }
0x5c: {  	_ =	shalt  }
0x5d: {  	_ =	shalt  }
0x5e: {  	_ =	shalt  }
0x5f: {  	_ =	shalt  }
0x60: {  	_ =	shalt  }
0x61: {  	_ =	shalt  }
0x62: {  	_ =	shalt  }
0x63: {  	_ =	shalt  }
0x64: {  	_ =	shalt  }
0x65: {  	_ =	shalt  }
0x66: {  	_ =	shalt  }
0x67: {  	_ =	shalt  }
0x68: {  	_ =	shalt  }
0x69: {  	_ =	shalt  }
0x6a: {  	_ =	shalt  }
0x6b: {  	_ =	shalt  }
0x6c: {  	_ =	shalt  }
0x6d: {  	_ =	shalt  }
0x6e: {  	_ =	shalt  }
0x6f: {  	_ =	shalt  }
0x70: {  	_ =	shalt  }
0x71: {  	_ =	shalt  }
0x72: {  	_ =	shalt  }
0x73: {  	_ =	shalt  }
0x74: {  	_ =	shalt  }
0x75: {  	_ =	shalt  }
0x76: {  	_ =	shalt  }
0x77: {  	_ =	shalt  }
0x78: {  	_ =	shalt  }
0x79: {  	_ =	shalt  }
0x7a: {  	_ =	shalt  }
0x7b: {  	_ =	shalt  }
0x7c: {  	_ =	shalt  }
0x7d: {  	_ =	shalt  }
0x7e: {  	_ =	shalt  }
0x7f: {  	_ =	shalt  }
0x80: {  	_ =	shalt  }
0x81: {  	_ =	shalt  }
0x82: {  	_ =	shalt  }
0x83: {  	_ =	shalt  }
0x84: {  	_ =	shalt  }
0x85: {  	_ =	shalt  }
0x86: {  	_ =	shalt  }
0x87: {  	_ =	shalt  }
.Lfunc_end0:
.L_simem_size_0:
called_computation_lowered:
.L_overlay_start_0:
0x88: {  	s2 =	sld [smem:$0x3FD9]  }
0x89: {  	s3 =	sld [smem:$0x3FFE];
	_ =	sdelay $0x1  }
0x8a: {  	s1 =	srdreg.scid  }
0x8b: {  	s0 =	sand.u32 $0x1, s1  }
0x8c: {  	s14 =	sshll.u32 s0, $0xA;
	s2 =	sadd.s32 s3, s2  }
0x8d: {  	s2 =	sadd.s32 s2, s14  }
0x8e: {  	[smem:$0x3FBC] =	sst s2  }
0x8f: {  	_ = 	snop  }
0x90: {  	s2 =	sld [smem:$0x3FD0];
	_ =	sdelay $0x2  }
0x91: {  	s15 =	simm.s32 $0xA;
	s4 =	simm.s32 $0x10  }
0x92: {  	[smem:s4], [sflag:s15] =	dma.local [hbm:s2], $0x1  }
0x93: {  	_ =	swait.eq [sflag:s15], $0x1  }
0x94: {  	s16 =	sld [smem:$0x10]  }
0x95: {  	s17 =	sld [smem:$0x11];
	[sflag:s15] =	ssyncset.done $0x0  }
0x96: {  	s5 =	sld [smem:$0x12];
	[sflag:s15] =	ssyncadd.s32 $0xFFFFFFFF  }
0x97: {  	s18 =	sld [smem:$0x13];
	(tm) =	ssettm $0x1  }
0x98: {  	s6 =	sld [smem:$0x3FFB];
	_ =	sdelay $0x3  }
0x99: {  	_ =	strace s6  }
0x9a: {  	s6 =	sld [smem:$0x3FFC];
	_ =	sdelay $0x3  }
0x9b: {  	_ =	strace s6  }
0x9c: {  	s6 =	sld [smem:$0x3FFD];
	_ =	sdelay $0x3  }
0x9d: {  	_ =	strace s6  }
0x9e: {  	_ =	strace $0x8FFFFFFF  }
0x9f: {  	s19 =	sld [smem:$0x3FDB];
	_ =	sdelay $0x1  }
0xa0: {  	s7 =	simm.s32 $_scs_section_size  }
0xa1: {  	s8 =	simm.s32 $_size__tile_overlayer_lowered;
	s9 =	simm.s32 $_tile_overlayer_lowered  }
0xa2: {  	s22 =	simm.s32 $0x1BFF;
	s21 =	sshll.u32 s9, $0x1;
	s6 =	sadd.s32 s7, s19  }
0xa3: {  	s10 =	simm.s32 $0x0;
	s20 =	sshll.u32 s8, $0x1;
	s8 =	sadd.s32 s21, s6  }
0xa4: {  	[timem:s10], [sflag:s22] =	dma.local [hbm:s8], s20  }
0xa5: {  	_ =	swait.ge [sflag:s22], s20  }
0xa6: {  	s7 =	ssub.s32 $0x0, s20;
	[sflag:s22] =	ssyncset.done $0x0  }
0xa7: {  	[sflag:s22] =	ssyncadd.s32 s7;
	_ =	sdelay $0x1  }
0xa8: {  	s23 =	simm.s32 $0x1B8B  }
0xa9: {  	_ =	swait.ge [sflag:s23], $0x1  }
0xaa: {  	[sflag:s23] =	ssyncset.done $0x0  }
0xab: {  	s25 =	simm.s32 $0x1B8E;
	s24 =	sld [smem:$0x3FFE];
	[sflag:s23] =	ssyncadd.s32 $0xFFFFFFFF  }
0xac: {  	s26 =	simm.s32 $execute0_lowered;
	[smem:$0x3FD2] =	sst s25  }
0xad: {  	s8 =	sshll.u32 s26, $0x1;
	_ =	strace $0x80000046;
	[dreg:$0x1] =	wrdreg $0xFFFFFFFF  }
0xae: {  	s28 =	simm.s32 $_size_execute0_lowered;
	s6 =	sadd.s32 s6, s8;
	[dreg:$0x0] =	wrdreg $0x0  }
0xaf: {  	s8 =	sshll.u32 s28, $0x1;
	[dreg:$0x2] =	wrdreg s6  }
0xb0: {  	[dreg:$0x3] =	wrdreg s8  }
0xb1: {  	[dreg:$0x4] =	wrdreg $0xC0  }
0xb2: {  	_ =	task [dreg:s10], $0x5FFFF  }
0xb3: {  	[dreg:$0x1] =	wrdreg $0xFFFFFFFF  }
0xb4: {  	[dreg:$0x0] =	wrdreg $0x60  }
0xb5: {  	[dreg:$0x2] =	wrdreg s24  }
0xb6: {  	[dreg:$0x3] =	wrdreg s18  }
0xb7: {  	[dreg:$0x4] =	wrdreg s17  }
0xb8: {  	[dreg:$0x5] =	wrdreg s5  }
0xb9: {  	[dreg:$0x6] =	wrdreg s16  }
0xba: {  	[dreg:$0x7] =	wrdreg $0x9  }
0xbb: {  	_ =	task.clear_ibuf [dreg:s10], $0x8FFFF;
	_ =	strace $0x90000046  }
0xbc: {  	s29 =	simm.s32 $0x9;
	_ =	strace $0x80000048  }
0xbd: {  	_ =	swait.ge [sflag:s29], $0x1  }
0xbe: {  	[sflag:s29] =	ssyncadd.s32 $0xFFFFFFFF  }
0xbf: {  	_ =	strace $0x90000048  }
0xc0: {  	_ =	sfence  }
0xc1: {  	s30 =	sld [smem:$0x0];
	_ =	sdelay $0x2  }
0xc2: {  	s31 =	sshll.u32 s1, $0xD;
	s1 =	sshrl.u32 s1, $0x2  }
0xc3: {  	s3 =	sand.u32 $0x4000, s31;
	s1 =	sadd.s32 s1, s30  }
0xc4: {  	s0 =	sor.u32 s3, s0;
	s1 =	sshll.u32 s1, $0x11  }
0xc5: {  	s0 =	sor.u32 s1, s0  }
0xc6: {  	s0 =	sadd.s32 $0x8F2B, s0  }
0xc7: {  	[sflag:s0] =	ssyncadd.remote.s32 $0x1  }
0xc8: {  	_ =	sfence.sel $0xFFFF  }
0xc9: {  	[dreg:$0x0] =	wrdreg $0xFFFFFFFF;
	(pc) =	sbr.abs _section_cstart, $3  }
0xca: {  	[dreg:$0x1] =	wrdreg $0xFFFFFFFF  }
0xcb: {  	_ =	task.clear_ibuf [dreg:s10], $0x2FFFF;
	_ =	strace $0x9FFFFFFF  }
0xcc: {  	(tm) =	ssettm $0x7FFFFFFF  }
0xcd: {  	_ =	shalt  }
tec
execute0_lowered:
.L_overlay_start_1:
0x0: {  	(tag) =	ssettag $0x1  }
0x1: {  	s7 =	rddreg [dreg:$0x0];
	s3 =	stileid.u32  }
0x2: {  	s1 =	rddreg [dreg:$0x1];
	p0 =	sgt.u32 s3, $0x7  }
.Ltmp0:
0x3: {  	s2 =	rddreg [dreg:$0x2];
	(pc) =	sbr.rel @p0 .LBB2_9-.Ltmp0, $4  }
0x4: {  	s4 =	rddreg [dreg:$0x3]  }
0x5: {  	s5 =	rddreg [dreg:$0x4];
	s6 =	simm.s32 $0x0  }
0x6: {  	[smem:$0x7FF] =	sst s6  }
0x7: {  	s0 =	rddreg [dreg:$0x5];
	_ =	strace $0x80000047  }
0x8: {  	s8 =	srdreg.scid;
	s10 =	sadd.s32 $0x1C00, s7  }
0x9: {  	s31 =	sshll.u32 s3, $0x4;
	s13 =	simm.s32 $0x8000;
	s14 =	simm.s32 $0x8200  }
0xa: {  	v25 =	vimm.f32 $0.0e+00;
	vm0 =	vcmask $0x300;
	s15 =	simm.s32 $0x8400;
	s16 =	simm.s32 $0x8480;
	s17 =	simm.s32 $0x8500  }
0xb: {  	v27 =	vimm.s32 $0x0;
	v37 =	vimm.s32 $0x1;
	v30 =	vimm.s32 $0x2;
	s18 =	simm.s32 $0x0;
	s8 =	sand.u32 $0x1, s8;
	s10 =	sadd.s32 s10, s31  }
.Ltmp1:
0xc: {  	v36 =	vimm.s32 $0x3;
	v32 =	vimm.s32 $0x4;
	v33 =	vimm.s32 $0x5;
	s9 =	sshll.u32 s8, $0x3;
	s12 =	ssub.s32 $0x2, s8;
	(pc) =	sbr.rel .LBB2_2-.Ltmp1, $4  }
0xd: {  	v28 =	vimm.s32 $0x6;
	v29 =	vimm.s32 $0x7;
	vm1 =	vcmask $0xB08;
	s8 =	sshll.u32 s8, $0xF;
	s9 =	sadd.s32 s3, s9;
	s30 =	sshrl.u32 s12, $0x1  }
0xe: {  	vm2 =	vcmask $0xF0C;
	vm3 =	vcmask $0x1310;
	vm4 =	vcmask $0x1714;
	s8 =	sadd.s32 s8, s10;
	s10 =	simm.s32 $0x80;
	s11 =	sshll.u32 s9, $0xD  }
0xf: {  	vm5 =	vcmask $0x1B18;
	vm6 =	vcmask $0x1F1C;
	v0 =	vmov s9;
	s9 =	ssub.s32 s12, s30;
	s12 =	simm.s32 $0x1;
	s29 =	sadd.s32 s11, s7  }
0x10: {  	vm7 =	vcmask $0x2320;
	v45 =	vsel vm0, $0x3F800000, v25;
	vm0 =	vcmask $0x704;
	[tilespmem:$0x1FFF0] =	vst v0;
	s9 =	smax.u32 s9, $0x1;
	s11 =	simm.s32 $0x400;
	s7 =	sadd.s32 $0x11C00, s29  }
.LBB2_8:
0x11: {  	s18 =	sadd.s32 $0x1, s18  }
0x12: {  	p0 =	sne.s32 s18, s9  }
.Ltmp2:
0x13: {  	_ = 	snop;
	(pc) =	sbr.rel @!p0 .LBB2_9-.Ltmp2, $4  }
0x14: {  	[hbm4b:s7+s6] =	stream.linear.scatter [tilespmem:s17], [sflag:$0x1], $0x10000, $0x38;
	[tilespmem:$0x18500] =	vst v63  }
0x15: {  	_ =	swait.ge [sflag:s12], $0x10000  }
0x16: {  	[sflag:s12] =	ssyncset.done $0x0  }
0x17: {  	[sflag:s12] =	ssyncadd.s32 $0xFFFF0000  }
.LBB2_2:
0x18: {  	[tilespmem:s6], [sflag:$0x1] =	stream.strided.gather [hbm4b:s8+s10], $0x8000, s11, s10, $0x38;
	[tilespmem:$0x18500] =	vst v63  }
0x19: {  	_ =	swait.ge [sflag:s12], $0x8000  }
0x1a: {  	[sflag:s12] =	ssyncset.done $0x0  }
0x1b: {  	[sflag:s12] =	ssyncadd.s32 $0xFFFF8000  }
0x1c: {  	[tilespmem:s13], [sflag:$0x1] =	stream.linear.gather [hbm4b:s2+s6], $0x200, $0x38;
	[tilespmem:$0x18500] =	vst v63  }
0x1d: {  	_ =	swait.ge [sflag:s12], $0x200  }
0x1e: {  	[sflag:s12] =	ssyncset.done $0x0  }
0x1f: {  	[sflag:s12] =	ssyncadd.s32 $0xFFFFFE00  }
0x20: {  	[tilespmem:s14], [sflag:$0x1] =	stream.linear.gather [hbm4b:s4+s6], $0x200, $0x38;
	[tilespmem:$0x18500] =	vst v63  }
0x21: {  	_ =	swait.ge [sflag:s12], $0x200  }
0x22: {  	[sflag:s12] =	ssyncset.done $0x0  }
0x23: {  	[sflag:s12] =	ssyncadd.s32 $0xFFFFFE00  }
0x24: {  	[tilespmem:s15], [sflag:$0x1] =	stream.linear.gather [hbm4b:s5+s6], $0x80, $0x38;
	[tilespmem:$0x18500] =	vst v63  }
0x25: {  	_ =	swait.ge [sflag:s12], $0x80  }
0x26: {  	[sflag:s12] =	ssyncset.done $0x0  }
0x27: {  	[sflag:s12] =	ssyncadd.s32 $0xFFFFFF80  }
0x28: {  	[tilespmem:s16], [sflag:$0x1] =	stream.linear.gather [hbm4b:s1+s6], $0x80, $0x38;
	[tilespmem:$0x18500] =	vst v63  }
0x29: {  	_ =	swait.ge [sflag:s12], $0x80  }
0x2a: {  	[sflag:s12] =	ssyncset.done $0x0  }
0x2b: {  	[sflag:s12] =	ssyncadd.s32 $0xFFFFFF80  }
0x2c: {  	v0 =	vld [tilespmem:$0x8000];
	_ =	sdelay $0x4  }
0x2d: {  	[tilespmem:$0x1FDC0] =	vst v0;
	v0 =	vld [tilespmem:$0x8010];
	_ =	sdelay $0x4  }
0x2e: {  	[tilespmem:$0x1FDD0] =	vst v0;
	v0 =	vld [tilespmem:$0x8020];
	_ =	sdelay $0x4  }
0x2f: {  	[tilespmem:$0x1FDE0] =	vst v0;
	v0 =	vld [tilespmem:$0x8030];
	_ =	sdelay $0x4  }
0x30: {  	[tilespmem:$0x1FDF0] =	vst v0;
	v0 =	vld [tilespmem:$0x8040];
	_ =	sdelay $0x4  }
0x31: {  	[tilespmem:$0x1FE00] =	vst v0;
	v0 =	vld [tilespmem:$0x8050];
	_ =	sdelay $0x4  }
0x32: {  	[tilespmem:$0x1FE10] =	vst v0;
	v0 =	vld [tilespmem:$0x8060];
	_ =	sdelay $0x4  }
0x33: {  	[tilespmem:$0x1FE20] =	vst v0;
	v0 =	vld [tilespmem:$0x8070];
	_ =	sdelay $0x4  }
0x34: {  	[tilespmem:$0x1FE30] =	vst v0;
	v0 =	vld [tilespmem:$0x8080];
	_ =	sdelay $0x4  }
0x35: {  	[tilespmem:$0x1FE40] =	vst v0;
	v0 =	vld [tilespmem:$0x8090];
	_ =	sdelay $0x4  }
0x36: {  	[tilespmem:$0x1FE50] =	vst v0;
	v0 =	vld [tilespmem:$0x80A0];
	_ =	sdelay $0x4  }
0x37: {  	[tilespmem:$0x1FE60] =	vst v0;
	v0 =	vld [tilespmem:$0x80B0];
	_ =	sdelay $0x4  }
0x38: {  	[tilespmem:$0x1FE70] =	vst v0;
	v0 =	vld [tilespmem:$0x80C0];
	_ =	sdelay $0x4  }
0x39: {  	[tilespmem:$0x1FE80] =	vst v0;
	v0 =	vld [tilespmem:$0x80D0];
	_ =	sdelay $0x4  }
0x3a: {  	[tilespmem:$0x1FE90] =	vst v0;
	v0 =	vld [tilespmem:$0x80E0];
	_ =	sdelay $0x4  }
0x3b: {  	[tilespmem:$0x1FEA0] =	vst v0;
	v0 =	vld [tilespmem:$0x80F0];
	_ =	sdelay $0x4  }
0x3c: {  	[tilespmem:$0x1FEB0] =	vst v0;
	v0 =	vld [tilespmem:$0x8100];
	_ =	sdelay $0x4  }
0x3d: {  	[tilespmem:$0x1FEC0] =	vst v0;
	v0 =	vld [tilespmem:$0x8110];
	_ =	sdelay $0x4  }
0x3e: {  	[tilespmem:$0x1FED0] =	vst v0;
	v0 =	vld [tilespmem:$0x8120];
	_ =	sdelay $0x4  }
0x3f: {  	[tilespmem:$0x1FEE0] =	vst v0;
	v0 =	vld [tilespmem:$0x8130];
	_ =	sdelay $0x4  }
0x40: {  	[tilespmem:$0x1FEF0] =	vst v0;
	v0 =	vld [tilespmem:$0x8140];
	_ =	sdelay $0x4  }
0x41: {  	[tilespmem:$0x1FF00] =	vst v0;
	v0 =	vld [tilespmem:$0x8150];
	_ =	sdelay $0x4  }
0x42: {  	[tilespmem:$0x1FF10] =	vst v0;
	v0 =	vld [tilespmem:$0x8160];
	_ =	sdelay $0x4  }
0x43: {  	[tilespmem:$0x1FF20] =	vst v0;
	v0 =	vld [tilespmem:$0x8170];
	_ =	sdelay $0x4  }
0x44: {  	[tilespmem:$0x1FF30] =	vst v0;
	v0 =	vld [tilespmem:$0x8180];
	_ =	sdelay $0x4  }
0x45: {  	[tilespmem:$0x1FF40] =	vst v0;
	v0 =	vld [tilespmem:$0x8190];
	_ =	sdelay $0x4  }
0x46: {  	[tilespmem:$0x1FF50] =	vst v0;
	v0 =	vld [tilespmem:$0x81A0];
	_ =	sdelay $0x4  }
0x47: {  	[tilespmem:$0x1FF60] =	vst v0;
	v0 =	vld [tilespmem:$0x81B0];
	_ =	sdelay $0x4  }
0x48: {  	[tilespmem:$0x1FF70] =	vst v0;
	v0 =	vld [tilespmem:$0x81C0];
	_ =	sdelay $0x4  }
0x49: {  	[tilespmem:$0x1FF80] =	vst v0;
	v0 =	vld [tilespmem:$0x81D0];
	_ =	sdelay $0x4  }
0x4a: {  	[tilespmem:$0x1FF90] =	vst v0;
	v0 =	vld [tilespmem:$0x81E0];
	_ =	sdelay $0x4  }
0x4b: {  	[tilespmem:$0x1FFA0] =	vst v0;
	v0 =	vld [tilespmem:$0x81F0];
	_ =	sdelay $0x4  }
0x4c: {  	[tilespmem:$0x1FFB0] =	vst v0;
	v0 =	vld [tilespmem:$0x8200];
	_ =	sdelay $0x4  }
0x4d: {  	[tilespmem:$0x1FFC0] =	vst v0;
	v0 =	vld [tilespmem:$0x8210];
	_ =	sdelay $0x4  }
0x4e: {  	[tilespmem:$0x1FFD0] =	vst v0;
	v0 =	vld [tilespmem:$0x8220];
	_ =	sdelay $0x1  }
0x4f: {  	v1 =	vld [tilespmem:$0x1FFF0]  }
0x50: {  	v46 =	vld [tilespmem:$0x8400]  }
0x51: {  	v47 =	vld [tilespmem:$0x8230]  }
0x52: {  	[tilespmem:$0x1FFE0] =	vst v0;
	v0 =	vld [tilespmem:$0x8480]  }
0x53: {  	v48 =	vld [tilespmem:$0x8240]  }
0x54: {  	v49 =	vld [tilespmem:$0x8250]  }
0x55: {  	v50 =	vld [tilespmem:$0x8260]  }
0x56: {  	v51 =	vld [tilespmem:$0x8270]  }
0x57: {  	v52 =	vld [tilespmem:$0x8280];
	v0 =	vperm.xlane v0, v1  }
0x58: {  	v53 =	vld [tilespmem:$0x8290]  }
0x59: {  	v54 =	vld [tilespmem:$0x82A0];
	(v2sf) =	vpush v0, $0x0  }
0x5a: {  	v55 =	vld [tilespmem:$0x82B0]  }
0x5b: {  	v56 =	vld [tilespmem:$0x82C0]  }
0x5c: {  	v57 =	vld [tilespmem:$0x82D0]  }
0x5d: {  	v58 =	vld [tilespmem:$0x82E0]  }
0x5e: {  	v59 =	vld [tilespmem:$0x82F0]  }
0x5f: {  	v60 =	vld [tilespmem:$0x8300]  }
0x60: {  	v61 =	vld [tilespmem:$0x8310]  }
0x61: {  	v62 =	vld [tilespmem:$0x8320]  }
0x62: {  	v63 =	vld [tilespmem:$0x8330]  }
0x63: {  	v3 =	vld [tilespmem:$0x8360]  }
0x64: {  	v4 =	vld [tilespmem:$0x8370]  }
0x65: {  	v5 =	vld [tilespmem:$0x8380]  }
0x66: {  	v6 =	vld [tilespmem:$0x8390]  }
0x67: {  	v7 =	vld [tilespmem:$0x83A0]  }
0x68: {  	v8 =	vld [tilespmem:$0x83B0];
	s19 =	spop (v2sf)  }
0x69: {  	v9 =	vld [tilespmem:$0x83C0];
	p0 =	slt.s32 s19, $0x1  }
.Ltmp3:
0x6a: {  	v10 =	vld [tilespmem:$0x83D0];
	(pc) =	sbr.rel @p0 .LBB2_6-.Ltmp3, $4  }
0x6b: {  	v2 =	vld [tilespmem:$0x83E0]  }
0x6c: {  	v11 =	vld [tilespmem:$0x83F0]  }
0x6d: {  	v1 =	vld [tilespmem:$0x8340]  }
0x6e: {  	v0 =	vld [tilespmem:$0x8350]  }
0x6f: {  	v14 =	vld [tilespmem:$0x1FF50];
	_ =	sdelay $0x2  }
0x70: {  	v12 =	vperm.xlane v45, v28;
	_ =	sdelay $0x1  }
0x71: {  	v17 =	vmul.f32 v12, v14;
	v14 =	vld [tilespmem:$0x1FF90];
	_ =	sdelay $0x2  }
0x72: {  	v13 =	vperm.xlane v45, v29;
	_ =	sdelay $0x1  }
0x73: {  	v16 =	vmul.f32 v13, v14;
	v14 =	vld [tilespmem:$0x1FFA0];
	_ =	sdelay $0x4  }
0x74: {  	v35 =	vmul.f32 v13, v14;
	v14 =	vld [tilespmem:$0x1FFB0];
	_ =	sdelay $0x4  }
0x75: {  	v19 =	vmul.f32 v13, v14;
	v14 =	vld [tilespmem:$0x1FF70];
	_ =	sdelay $0x4  }
0x76: {  	v18 =	vmul.f32 v12, v14;
	v14 =	vld [tilespmem:$0x1FF60];
	_ =	sdelay $0x4  }
0x77: {  	v42 =	vmul.f32 v12, v14;
	v14 =	vld [tilespmem:$0x1FF40];
	_ =	sdelay $0x4  }
0x78: {  	v38 =	vmul.f32 v12, v14;
	v12 =	vld [tilespmem:$0x1FF80];
	_ =	sdelay $0x4  }
0x79: {  	v22 =	vmul.f32 v13, v12;
	v12 =	vld [tilespmem:$0x1FDD0];
	_ =	sdelay $0x2  }
0x7a: {  	v15 =	vperm.xlane v45, v27  }
0x7b: {  	v39 =	vadd.f32 v16, v17;
	v16 =	vld [tilespmem:$0x1FE90]  }
0x7c: {  	v34 =	vmul.f32 v15, v12;
	v12 =	vld [tilespmem:$0x1FDC0];
	_ =	sdelay $0x1  }
0x7d: {  	v13 =	vperm.xlane v45, v36;
	_ =	sdelay $0x1  }
0x7e: {  	v41 =	vmul.f32 v13, v16;
	v16 =	vld [tilespmem:$0x1FED0]  }
0x7f: {  	v43 =	vmul.f32 v15, v12;
	v12 =	vld [tilespmem:$0x1FF10];
	_ =	sdelay $0x1  }
0x80: {  	v24 =	vadd.f32 v19, v18;
	v19 =	vld [tilespmem:$0x1FEC0]  }
0x81: {  	v23 =	vperm.xlane v45, v33;
	v14 =	vperm.xlane v45, v32;
	_ =	sdelay $0x1  }
0x82: {  	v16 =	vmul.f32 v14, v16;
	v20 =	vmul.f32 v23, v12  }
0x83: {  	v12 =	vld [tilespmem:$0x1FF00]  }
0x84: {  	v38 =	vadd.f32 v22, v38;
	v22 =	vmul.f32 v14, v19;
	v19 =	vadd.f32 v20, v16;
	v16 =	vld [tilespmem:$0x1FE40]  }
0x85: {  	v18 =	vld [tilespmem:$0x1FE10];
	_ =	sdelay $0x1  }
0x86: {  	v21 =	vperm.xlane v45, v30  }
0x87: {  	v17 =	vld [tilespmem:$0x1FE00];
	v40 =	vmul.f32 v23, v12;
	v12 =	vperm.xlane v45, v37  }
0x88: {  	v20 =	vmul.f32 v21, v16;
	v16 =	vld [tilespmem:$0x1FE80]  }
0x89: {  	v18 =	vmul.f32 v12, v18;
	_ =	sdelay $0x1  }
0x8a: {  	v34 =	vadd.f32 v18, v34;
	v18 =	vld [tilespmem:$0x1FE60];
	_ =	sdelay $0x1  }
0x8b: {  	v17 =	vmul.f32 v12, v17;
	v16 =	vmul.f32 v13, v16;
	_ =	sdelay $0x1  }
0x8c: {  	v43 =	vadd.f32 v17, v43;
	v16 =	vadd.f32 v16, v20  }
0x8d: {  	v35 =	vadd.f32 v35, v42;
	v42 =	vadd.f32 v40, v22;
	v22 =	vmul.f32 v21, v18;
	v18 =	vld [tilespmem:$0x1FF20]  }
0x8e: {  	v40 =	vadd.f32 v16, v43;
	v16 =	vld [tilespmem:$0x1FDE0];
	_ =	sdelay $0x2  }
0x8f: {  	v17 =	vld [tilespmem:$0x1FEA0]  }
0x90: {  	v39 =	vadd.f32 v39, v19;
	v19 =	vmul.f32 v23, v18;
	v18 =	vld [tilespmem:$0x1FEE0]  }
0x91: {  	v20 =	vmul.f32 v15, v16;
	v16 =	vld [tilespmem:$0x1FE20];
	_ =	sdelay $0x3  }
0x92: {  	v18 =	vmul.f32 v14, v18  }
0x93: {  	v44 =	vmul.f32 v13, v17;
	v17 =	vld [tilespmem:$0x1FE50];
	v16 =	vmul.f32 v12, v16  }
0x94: {  	v18 =	vadd.f32 v19, v18;
	v19 =	vld [tilespmem:$0x1FDF0]  }
0x95: {  	v16 =	vadd.f32 v16, v20;
	v20 =	vld [tilespmem:$0x1FEB0];
	_ =	sdelay $0x3  }
0x96: {  	v19 =	vmul.f32 v15, v19;
	v15 =	vld [tilespmem:$0x1FE30]  }
0x97: {  	v17 =	vmul.f32 v21, v17;
	v13 =	vmul.f32 v13, v20;
	v20 =	vld [tilespmem:$0x1FEF0];
	_ =	sdelay $0x1  }
0x98: {  	s20 =	simm.s32 $0x20;
	v17 =	vadd.f32 v41, v17  }
0x99: {  	v41 =	vadd.f32 v44, v22;
	v22 =	vld [tilespmem:s20+$0xFFFFFFF0]  }
0x9a: {  	v17 =	vadd.f32 v17, v34;
	v15 =	vmul.f32 v12, v15;
	v12 =	vld [tilespmem:$0x1FE70]  }
0x9b: {  	v14 =	vmul.f32 v14, v20;
	v20 =	vld [tilespmem:$0x1FF30]  }
0x9c: {  	v17 =	vadd.f32 v39, v17  }
0x9d: {  	v44 =	vimm.f32 $1.000000000e+00  }
0x9e: {  	v17 =	vmul.f32 v17, v44;
	v18 =	vadd.f32 v35, v18;
	v16 =	vadd.f32 v41, v16  }
0x9f: {  	v21 =	vmul.f32 v21, v12;
	v12 =	vadd.f32 v38, v42  }
0xa0: {  	v17 =	vadd.f32 v17, v22;
	v16 =	vadd.f32 v18, v16;
	v20 =	vmul.f32 v23, v20;
	v23 =	vld [tilespmem:s20+$0xFFFFFFE0]  }
0xa1: {  	v15 =	vadd.f32 v15, v19;
	v19 =	vld [tilespmem:s20+$0x0];
	v12 =	vadd.f32 v12, v40  }
0xa2: {  	v17 =	vmax.f32 v17, $0.0e+00;
	v13 =	vadd.f32 v13, v21;
	v14 =	vadd.f32 v20, v14  }
0xa3: {  	v35 =	vmul.f32 v17, v57;
	v12 =	vmul.f32 v12, v44  }
0xa4: {  	v13 =	vadd.f32 v13, v15;
	v15 =	vmul.f32 v16, v44;
	v14 =	vadd.f32 v24, v14  }
0xa5: {  	v21 =	vmul.f32 v17, v49;
	v16 =	vld [tilespmem:s20+$0x10];
	v24 =	vmul.f32 v17, v6;
	v12 =	vadd.f32 v12, v23  }
0xa6: {  	v23 =	vmul.f32 v17, v0;
	v13 =	vadd.f32 v14, v13;
	v14 =	vadd.f32 v15, v19  }
0xa7: {  	v19 =	vmul.f32 v17, v61;
	v15 =	vmul.f32 v17, v53;
	v12 =	vmax.f32 v12, $0.0e+00  }
0xa8: {  	v13 =	vmul.f32 v13, v44;
	v14 =	vmax.f32 v14, $0.0e+00;
	v38 =	vmul.f32 v12, v5  }
0xa9: {  	v18 =	vmul.f32 v12, v48;
	v22 =	vmul.f32 v14, v62  }
0xaa: {  	v41 =	vmul.f32 v14, v58;
	v13 =	vadd.f32 v13, v16;
	v16 =	vmul.f32 v12, v52  }
0xab: {  	v20 =	vmul.f32 v14, v50;
	v39 =	vadd.f32 v21, v18;
	v21 =	vmul.f32 v12, v1  }
0xac: {  	v18 =	vmul.f32 v12, v60;
	v13 =	vmax.f32 v13, $0.0e+00;
	v34 =	vadd.f32 v15, v16  }
0xad: {  	v40 =	vadd.f32 v23, v21;
	v23 =	vmul.f32 v12, v56;
	v16 =	vmul.f32 v13, v63  }
0xae: {  	v43 =	vadd.f32 v19, v18;
	v18 =	vmul.f32 v14, v3;
	v15 =	vmul.f32 v13, v51  }
0xaf: {  	v19 =	vmul.f32 v13, v59;
	v35 =	vadd.f32 v35, v23;
	v21 =	vadd.f32 v16, v22  }
0xb0: {  	v22 =	vmul.f32 v13, v8;
	v42 =	vadd.f32 v15, v20;
	v20 =	vmul.f32 v14, v7  }
0xb1: {  	v23 =	vadd.f32 v19, v41;
	v19 =	vadd.f32 v24, v38;
	v16 =	vmul.f32 v13, v4  }
0xb2: {  	v15 =	vmul.f32 v13, v55;
	v20 =	vadd.f32 v22, v20;
	v22 =	vmul.f32 v14, v54  }
0xb3: {  	v21 =	vadd.f32 v21, v43;
	v16 =	vadd.f32 v16, v18  }
0xb4: {  	v18 =	vadd.f32 v20, v19;
	v15 =	vadd.f32 v15, v22  }
0xb5: {  	v19 =	vadd.f32 v42, v39;
	(xrf2) =	vadd.scan.msk.f32 $0xffff, v21;
	v20 =	vmul.f32 v17, v10;
	v21 =	vmul.f32 v12, v9  }
0xb6: {  	v16 =	vadd.f32 v16, v40;
	v22 =	vmul.f32 v14, v2;
	(xrf2) =	vadd.scan.msk.f32 $0xffff, v18;
	v18 =	vmul.f32 v13, v11  }
0xb7: {  	v15 =	vadd.f32 v15, v34;
	(xrf2) =	vadd.scan.msk.f32 $0xffff, v19  }
0xb8: {  	(xrf2) =	vadd.scan.msk.f32 $0xffff, v16;
	v16 =	vadd.f32 v20, v21;
	v18 =	vadd.f32 v18, v22;
	_ =	sdelay $0x1  }
0xb9: {  	(xrf2) =	vadd.scan.msk.f32 $0xffff, v15;
	v15 =	vadd.f32 v18, v16;
	v16 =	vld [tilespmem:$0x1FFD0]  }
0xba: {  	v19 =	vadd.f32 v23, v35;
	_ =	sdelay $0x1  }
0xbb: {  	(xrf2) =	vadd.scan.msk.f32 $0xffff, v19  }
0xbc: {  	(xrf2) =	vadd.scan.msk.f32 $0xffff, v15;
	v15 =	vld [tilespmem:$0x1FFC0]  }
0xbd: {  	v16 =	vmul.f32 v17, v16;
	v17 =	vld [tilespmem:$0x1FFE0];
	_ =	sdelay $0x3  }
0xbe: {  	v13 =	vmul.f32 v13, v47  }
0xbf: {  	v12 =	vmul.f32 v12, v15;
	v14 =	vmul.f32 v14, v17;
	_ =	sdelay $0x1  }
0xc0: {  	v15, _, _ =	vpop (xrf2);
	v13 =	vadd.f32 v13, v14;
	v14 =	vadd.f32 v16, v12  }
0xc1: {  	v15 =	vbroadcast v15, $0xF  }
0xc2: {  	v17, _, _ =	vpop (xrf2);
	v23 =	vadd.f32 v13, v14  }
0xc3: {  	v16, _, _ =	vpop (xrf2);
	v12 =	vsel vm3, $0x3F800000, v25  }
0xc4: {  	p0 =	sne.s32 s19, $0x1;
	v24 =	vmul.f32 v12, v15;
	v14 =	vbroadcast v17, $0xF;
	v13, _, _ =	vpop (xrf2);
	(xrf2) =	vadd.scan.msk.f32 $0xffff, v23  }
.Ltmp4:
0xc5: {  	v21 =	vbroadcast v16, $0xF;
	v16 =	vbroadcast v13, $0xF;
	v13 =	vsel vm5, $0x3F800000, v25;
	v15, _, _ =	vpop (xrf2);
	(pc) =	sbr.rel @!p0 .LBB2_5-.Ltmp4, $4  }
0xc6: {  	v17 =	vbroadcast v15, $0xF;
	v18 =	vmul.f32 v13, v14;
	v19, _, _ =	vpop (xrf2);
	v14 =	vsel vm4, $0x3F800000, v25  }
0xc7: {  	v15 =	vsel vm1, $0x3F800000, v25;
	v22 =	vbroadcast v19, $0xF;
	v20 =	vmul.f32 v14, v16  }
0xc8: {  	v16 =	vsel vm0, $0x3F800000, v25;
	v19 =	vmul.f32 v15, v17;
	v17 =	vsel vm2, $0x3F800000, v25  }
0xc9: {  	s22 =	sadd.s32 $0xFFFFFFFF, s19;
	s23 =	simm.s32 $0x8500;
	s21 =	simm.s32 $0x8500;
	v23, _, _ =	vpop (xrf2);
	v21 =	vmul.f32 v16, v21;
	v20 =	vadd.f32 v20, v24;
	v22 =	vmul.f32 v17, v22  }
.LBB2_4:
0xca: {  	_ =	sdelay $0x3  }
0xcb: {  	v24, _, _ =	vpop (xrf2)  }
0xcc: {  	v23 =	vbroadcast v23, $0xF;
	v25 =	vimm.f32 $0.0e+00;
	v24 =	vbroadcast v24, $0xF  }
0xcd: {  	v25 =	vsel vm6, $0x3F800000, v25  }
0xce: {  	v19 =	vadd.f32 v22, v19;
	v22 =	vmul.f32 v25, v23;
	v23 =	vmul.f32 v45, v24;
	_ =	sdelay $0x1  }
0xcf: {  	v18 =	vadd.f32 v22, v18;
	v21 =	vadd.f32 v21, v23;
	_ =	sdelay $0x1  }
0xd0: {  	v18 =	vadd.f32 v18, v20;
	v19 =	vadd.f32 v19, v21;
	_ =	sdelay $0x1  }
0xd1: {  	v18 =	vadd.f32 v18, v19;
	_ =	sdelay $0x1  }
0xd2: {  	v18 =	vadd.f32 v18, v46;
	_ =	sdelay $0x1  }
0xd3: {  	v19 =	vmul.f32 $1.442695020e+00, v18;
	_ =	sdelay $0x1  }
0xd4: {  	(erf) = vpow2.f32 v19;
	_ =	sdelay $0x8  }
0xd5: {  	v26 =	vld [tilespmem:$0x1FFB0];
	v19 =	vpop (erf)  }
0xd6: {  	v30 =	vld [tilespmem:$0x1FF40];
	(xrf2) =	vadd.scan.msk.f32 $0xffff, v19  }
0xd7: {  	v25 =	vld [tilespmem:$0x1FFA0]  }
0xd8: {  	v24 =	vld [tilespmem:$0x1FF90]  }
0xd9: {  	v23 =	vld [tilespmem:$0x1FF50]  }
0xda: {  	v22 =	vperm.xlane v19, v29;
	v29 =	vld [tilespmem:$0x1FF60]  }
0xdb: {  	v31 =	vld [tilespmem:$0x1FDD0]  }
0xdc: {  	v35 =	vld [tilespmem:$0x1FDC0];
	v21 =	vperm.xlane v19, v28  }
0xdd: {  	v43 =	vld [tilespmem:$0x1FF10];
	v20 =	vperm.xlane v19, v27  }
0xde: {  	v27 =	vld [tilespmem:$0x1FF70];
	v23 =	vmul.f32 v21, v23;
	v24 =	vmul.f32 v22, v24  }
0xdf: {  	v28 =	vld [tilespmem:$0x1FDE0];
	v25 =	vmul.f32 v22, v25;
	v29 =	vmul.f32 v21, v29  }
0xe0: {  	v23 =	vadd.f32 v24, v23;
	v24 =	vld [tilespmem:$0x1FDF0];
	v32, _, _ =	vpop (xrf2)  }
0xe1: {  	v25 =	vadd.f32 v25, v29;
	v29 =	vld [tilespmem:$0x1FE00];
	v32 =	vbroadcast v32, $0xF  }
0xe2: {  	v44 =	vld [tilespmem:$0x1FF00];
	v26 =	vmul.f32 v22, v26  }
0xe3: {  	v40 =	vld [tilespmem:$0x1FED0];
	v31 =	vmul.f32 v20, v31;
	v27 =	vmul.f32 v21, v27;
	v18 =	vsel vm7, v32, v18  }
0xe4: {  	v21 =	vmul.f32 v21, v30;
	v30 =	vld [tilespmem:$0x1FF80];
	[tilespmem:s21+$0x0] =	vst v18;
	v18 =	vperm.xlane v19, v37  }
0xe5: {  	v38 =	vld [tilespmem:$0x1FEC0];
	v28 =	vmul.f32 v20, v28;
	v24 =	vmul.f32 v20, v24  }
0xe6: {  	v33 =	vimm.s32 $0x5;
	v39 =	vld [tilespmem:$0x1FE10];
	v20 =	vmul.f32 v20, v35;
	v29 =	vmul.f32 v18, v29  }
0xe7: {  	v34 =	vimm.s32 $0x4;
	v33 =	vperm.xlane v19, v33;
	v26 =	vadd.f32 v26, v27;
	v27 =	vld [tilespmem:$0x1FE90]  }
0xe8: {  	v34 =	vperm.xlane v19, v34;
	v20 =	vadd.f32 v29, v20;
	v29 =	vld [tilespmem:$0x1FE50]  }
0xe9: {  	v41 =	vld [tilespmem:$0x1FE40];
	v35 =	vmul.f32 v33, v43;
	v22 =	vmul.f32 v22, v30;
	v30 =	vimm.s32 $0x2  }
0xea: {  	v43 =	vld [tilespmem:$0x1FEE0];
	v30 =	vperm.xlane v19, v30;
	(erf) = vrcp.f32 v32  }
0xeb: {  	v32 =	vperm.xlane v19, v36;
	v37 =	vmul.f32 v34, v40;
	v40 =	vld [tilespmem:$0x1FE80]  }
0xec: {  	v38 =	vmul.f32 v34, v38;
	v36 =	vmul.f32 v33, v44;
	v19 =	vld [tilespmem:$0x1FF20]  }
0xed: {  	v21 =	vadd.f32 v22, v21;
	v22 =	vld [tilespmem:$0x1FEA0];
	v27 =	vmul.f32 v32, v27;
	v29 =	vmul.f32 v30, v29  }
0xee: {  	v42 =	vld [tilespmem:$0x1FE60]  }
0xef: {  	v36 =	vadd.f32 v36, v38;
	v39 =	vmul.f32 v18, v39;
	v27 =	vadd.f32 v27, v29;
	v29 =	vld [tilespmem:$0x1FE20]  }
0xf0: {  	v35 =	vadd.f32 v35, v37;
	v37 =	vmul.f32 v30, v41;
	v40 =	vmul.f32 v32, v40  }
0xf1: {  	v38 =	vmul.f32 v34, v43;
	v31 =	vadd.f32 v39, v31;
	v19 =	vmul.f32 v33, v19  }
0xf2: {  	v22 =	vmul.f32 v32, v22;
	v23 =	vadd.f32 v23, v35;
	v35 =	vadd.f32 v40, v37  }
0xf3: {  	v21 =	vadd.f32 v21, v36;
	v37 =	vmul.f32 v30, v42;
	v42 =	vld [tilespmem:$0x1FE30];
	v19 =	vadd.f32 v19, v38  }
0xf4: {  	v20 =	vadd.f32 v35, v20;
	v27 =	vadd.f32 v27, v31;
	v31 =	vld [tilespmem:$0x1FE70];
	v29 =	vmul.f32 v18, v29  }
0xf5: {  	s20 =	sadd.s32 $0x40, s20;
	v22 =	vadd.f32 v22, v37;
	v19 =	vadd.f32 v25, v19;
	v25 =	vld [tilespmem:$0x1FEF0]  }
0xf6: {  	v23 =	vadd.f32 v23, v27;
	v27 =	vld [tilespmem:s20+$0xFFFFFFE0];
	v28 =	vadd.f32 v29, v28  }
0xf7: {  	v20 =	vadd.f32 v21, v20;
	v29 =	vld [tilespmem:$0x1FEB0]  }
0xf8: {  	v44 =	vpop (erf);
	v22 =	vadd.f32 v22, v28;
	v28 =	vld [tilespmem:$0x1FF30]  }
0xf9: {  	v20 =	vmul.f32 v20, v44;
	v30 =	vmul.f32 v30, v31;
	v31 =	vld [tilespmem:s20+$0xFFFFFFF0]  }
0xfa: {  	v18 =	vmul.f32 v18, v42  }
0xfb: {  	v20 =	vadd.f32 v20, v27  }
0xfc: {  	v25 =	vmul.f32 v34, v25;
	v21 =	vmul.f32 v23, v44;
	v18 =	vadd.f32 v18, v24  }
0xfd: {  	v23 =	vld [tilespmem:s20+$0x0];
	v20 =	vmax.f32 v20, $0.0e+00;
	v29 =	vmul.f32 v32, v29;
	v28 =	vmul.f32 v33, v28  }
0xfe: {  	v19 =	vadd.f32 v19, v22;
	v21 =	vadd.f32 v21, v31;
	v31 =	vmul.f32 v20, v5  }
0xff: {  	v36 =	vmul.f32 v20, v52;
	v24 =	vadd.f32 v29, v30;
	v22 =	vadd.f32 v28, v25  }
0x100: {  	v38 =	vmul.f32 v20, v9;
	v19 =	vmul.f32 v19, v44  }
0x101: {  	v39 =	vmul.f32 v20, v60;
	v18 =	vadd.f32 v24, v18;
	v22 =	vadd.f32 v26, v22  }
0x102: {  	v42 =	vmul.f32 v20, v1;
	v21 =	vmax.f32 v21, $0.0e+00;
	v19 =	vadd.f32 v19, v23;
	v23 =	vld [tilespmem:s20+$0x10]  }
0x103: {  	v27 =	vmul.f32 v21, v49;
	v34 =	vmul.f32 v21, v61;
	v24 =	vld [tilespmem:$0x1FFD0];
	v18 =	vadd.f32 v22, v18  }
0x104: {  	v25 =	vmul.f32 v21, v10;
	v28 =	vmul.f32 v21, v0  }
0x105: {  	v19 =	vmax.f32 v19, $0.0e+00;
	v26 =	vmul.f32 v21, v6;
	v18 =	vmul.f32 v18, v44  }
0x106: {  	v34 =	vadd.f32 v34, v39;
	v32 =	vmul.f32 v19, v62;
	v35 =	vmul.f32 v19, v50  }
0x107: {  	v25 =	vadd.f32 v25, v38;
	v22 =	vmul.f32 v21, v57;
	v18 =	vadd.f32 v18, v23  }
0x108: {  	v28 =	vadd.f32 v28, v42;
	v24 =	vmul.f32 v21, v24;
	v23 =	vmul.f32 v20, v48  }
0x109: {  	v21 =	vmul.f32 v21, v53;
	v44 =	vmul.f32 v20, v56;
	v18 =	vmax.f32 v18, $0.0e+00  }
0x10a: {  	v23 =	vadd.f32 v27, v23;
	v27 =	vmul.f32 v19, v3;
	v37 =	vmul.f32 v18, v8  }
0x10b: {  	v26 =	vadd.f32 v26, v31;
	v40 =	vmul.f32 v18, v11;
	v43 =	vmul.f32 v18, v51  }
0x10c: {  	v21 =	vadd.f32 v21, v36;
	v41 =	vmul.f32 v18, v55;
	v36 =	vmul.f32 v18, v63  }
0x10d: {  	v38 =	vmul.f32 v18, v47;
	v35 =	vadd.f32 v43, v35;
	v43 =	vmul.f32 v19, v7  }
0x10e: {  	v42 =	vmul.f32 v18, v59;
	v18 =	vmul.f32 v18, v4;
	v32 =	vadd.f32 v36, v32  }
0x10f: {  	v22 =	vadd.f32 v22, v44;
	v31 =	vadd.f32 v37, v43  }
0x110: {  	v44 =	vld [tilespmem:$0x1FFC0];
	v18 =	vadd.f32 v18, v27;
	v27 =	vadd.f32 v32, v34  }
0x111: {  	v26 =	vadd.f32 v31, v26  }
0x112: {  	(xrf2) =	vadd.scan.msk.f32 $0xffff, v27  }
0x113: {  	(xrf2) =	vadd.scan.msk.f32 $0xffff, v26  }
0x114: {  	v23 =	vadd.f32 v35, v23  }
0x115: {  	v29 =	vld [tilespmem:$0x1FFE0];
	v30 =	vmul.f32 v19, v54;
	v20 =	vmul.f32 v20, v44  }
0x116: {  	(xrf2) =	vadd.scan.msk.f32 $0xffff, v23  }
0x117: {  	v33 =	vmul.f32 v19, v58;
	v20 =	vadd.f32 v24, v20;
	v24 =	vadd.f32 v41, v30  }
0x118: {  	v18 =	vadd.f32 v18, v28  }
0x119: {  	v33 =	vadd.f32 v42, v33;
	v21 =	vadd.f32 v24, v21  }
0x11a: {  	v29 =	vmul.f32 v19, v29;
	v19 =	vmul.f32 v19, v2;
	(xrf2) =	vadd.scan.msk.f32 $0xffff, v18  }
0x11b: {  	v22 =	vadd.f32 v33, v22  }
0x11c: {  	v19 =	vadd.f32 v40, v19;
	v18, _, _ =	vpop (xrf2);
	(xrf2) =	vadd.scan.msk.f32 $0xffff, v21  }
0x11d: {  	v21, _, _ =	vpop (xrf2);
	(xrf2) =	vadd.scan.msk.f32 $0xffff, v22  }
0x11e: {  	v19 =	vadd.f32 v19, v25;
	_ =	sdelay $0x1  }
0x11f: {  	v22, _, _ =	vpop (xrf2);
	(xrf2) =	vadd.scan.msk.f32 $0xffff, v19  }
0x120: {  	v29 =	vadd.f32 v38, v29;
	_ =	sdelay $0x1  }
0x121: {  	v20 =	vadd.f32 v29, v20;
	v23 =	vbroadcast v18, $0xF  }
0x122: {  	v36 =	vimm.s32 $0x3;
	v37 =	vimm.s32 $0x1;
	v33 =	vimm.s32 $0x5;
	v18, _, _ =	vpop (xrf2)  }
0x123: {  	p0 =	sne.s32 s22, $0x1;
	v32 =	vimm.s32 $0x4;
	v30 =	vimm.s32 $0x2;
	(xrf2) =	vadd.scan.msk.f32 $0xffff, v20;
	v20 =	vbroadcast v18, $0xF  }
.Ltmp5:
0x124: {  	v28 =	vimm.s32 $0x6;
	v24 =	vmul.f32 v12, v23;
	v19 =	vbroadcast v21, $0xF;
	v18, _, _ =	vpop (xrf2);
	(pc) =	sbr.rel @p0 .LBB2_4-.Ltmp5, $4  }
0x125: {  	v27 =	vimm.s32 $0x0;
	v20 =	vmul.f32 v14, v20;
	v21 =	vbroadcast v18, $0xF;
	v23, _, _ =	vpop (xrf2)  }
0x126: {  	v29 =	vimm.s32 $0x7;
	v22 =	vbroadcast v22, $0xF;
	v25 =	vbroadcast v23, $0xF  }
0x127: {  	s23 =	sadd.s32 $0x80, s23;
	v20 =	vadd.f32 v20, v24;
	v18 =	vmul.f32 v13, v19;
	v19 =	vmul.f32 v15, v21  }
0x128: {  	s22 =	sadd.s32 $0xFFFFFFFF, s22;
	s21 =	smov.u32 s23;
	v23, _, _ =	vpop (xrf2);
	v21 =	vmul.f32 v16, v22;
	v22 =	vmul.f32 v17, v25;
	v25 =	vimm.f32 $0.0e+00  }
.LBB2_5:
0x129: {  	_ =	sdelay $0x3  }
0x12a: {  	v0, _, _ =	vpop (xrf2)  }
0x12b: {  	v1 =	vbroadcast v23, $0xF;
	v0 =	vbroadcast v0, $0xF  }
0x12c: {  	v2 =	vsel vm6, $0x3F800000, v25  }
0x12d: {  	v1 =	vmul.f32 v2, v1;
	v0 =	vmul.f32 v45, v0  }
0x12e: {  	v61 =	vadd.f32 v22, v19  }
0x12f: {  	v1 =	vadd.f32 v1, v18;
	v0 =	vadd.f32 v21, v0;
	_ =	sdelay $0x1  }
0x130: {  	v1 =	vadd.f32 v1, v20;
	v0 =	vadd.f32 v61, v0;
	_ =	sdelay $0x1  }
0x131: {  	v0 =	vadd.f32 v1, v0;
	_ =	sdelay $0x1  }
0x132: {  	v0 =	vadd.f32 v0, v46;
	_ =	sdelay $0x1  }
0x133: {  	v62 =	vmul.f32 $1.442695020e+00, v0;
	_ =	sdelay $0x1  }
0x134: {  	(erf) = vpow2.f32 v62;
	_ =	sdelay $0x8  }
0x135: {  	v1 =	vpop (erf)  }
0x136: {  	(xrf2) =	vadd.scan.msk.f32 $0xffff, v1;
	_ =	sdelay $0x9  }
0x137: {  	v1, _, _ =	vpop (xrf2)  }
0x138: {  	v1 =	vbroadcast v1, $0xF;
	_ =	sdelay $0x1  }
0x139: {  	(erf) = vrcp.f32 v1;
	_ =	sdelay $0x3  }
0x13a: {  	p0 =	sgt.u32 s19, $0x1FF  }
.Ltmp6:
0x13b: {  	_ = 	snop;
	(pc) =	sbr.rel @p0 .LBB2_8-.Ltmp6, $3  }
0x13c: {  	_ =	sdelay $0x1  }
0x13d: {  	v0 =	vsel vm7, v1, v0  }
0x13e: {  	[tilespmem:s21+$0x0] =	vst v0;
	v63 =	vpop (erf)  }
.LBB2_6:
0x13f: {  	s20 =	sshll.u32 s19, $0x9  }
0x140: {  	s21 =	ssub.s32 $0x200, s19;
	s20 =	sshra.s32 s20, $0x2  }
0x141: {  	p0 =	sne.s32 s21, $0x1;
	v0 =	vld [tilespmem:s20+$0x8480]  }
.Ltmp7:
0x142: {  	_ = 	snop;
	(pc) =	sbr.rel @!p0 .LBB2_8-.Ltmp7, $3  }
0x143: {  	_ =	sdelay $0x1  }
0x144: {  	s19 =	sadd.s32 $0x8500, s20  }
0x145: {  	s20 =	sadd.s32 $0xFFFFFFFF, s21;
	[tilespmem:s19+$0x0] =	vst v0  }
.LBB2_7:
0x146: {  	p0 =	sne.s32 s20, $0x1  }
.Ltmp8:
0x147: {  	_ = 	snop;
	(pc) =	sbr.rel @p0 .LBB2_7-.Ltmp8, $3  }
0x148: {  	_ =	sdelay $0x1  }
0x149: {  	s20 =	sadd.s32 $0xFFFFFFFF, s20;
	s19 =	sadd.s32 $0x80, s19  }
0x14a: {  	[tilespmem:s19+$0x0] =	vst v0  }
.Ltmp9:
0x14b: {  	_ = 	snop;
	(pc) =	sbr.rel .LBB2_8-.Ltmp9, $1  }
0x14c: {  	_ =	sdelay $0x3  }
.LBB2_9:
0x14d: {  	_ =	sfence.sel $0x180000  }
0x14e: {  	[bflag:$0x0] =	sbarrier.arrive $0xFFFF  }
0x14f: {  	p0 =	sne.s32 s3, $0x0;
	_ =	strace $0x90000047  }
0x150: {  	s0 =	sadd.s32 @!p0 $0x100000, s0;
	[bflag:$0x2] =	sbarrier.arrive $0xFFFF  }
0x151: {  	[sflag:s0] =	ssyncadd.tile.s32 @!p0 $0x1;
	_ =	shalt  }
.Lfunc_end2:
_tile_overlayer_lowered:
.L_overlay_start_2:
0x152: {  	(tag) =	ssettag $0x2  }
0x153: {  	s0 =	rddreg [dreg:$0x0];
	s2 =	stileid.u32  }
0x154: {  	s1 =	rddreg [dreg:$0x1];
	p0 =	sne.s32 s2, $0x0  }
0x155: {  	s3 =	rddreg [dreg:$0x2];
	[bflag:$0x3] =	sbarrier.arrive $0xFFFF;
	s2 =	simm.s32 @!p0 $0x1C01  }
0x156: {  	[timem:s3], [sflag:s2] =	dma.local @!p0 [hbm:s0], s1  }
0x157: {  	s0 =	simm.s32 @!p0 $0x1  }
0x158: {  	_ =	swait.ge @!p0 [sflag:s0], s1  }
0x159: {  	s1 =	ssub.s32 @!p0 $0x0, s1;
	[sflag:s0] =	ssyncset.done @!p0 $0x0  }
0x15a: {  	[sflag:s0] =	ssyncadd.s32 @!p0 s1  }
0x15b: {  	[bflag:$0x3] =	sbarrier.arrive $0xFFFF  }
0x15c: {  	_ =	shalt  }

</sc_bundles>
